<compile_context>
chip_gen: v7x
topology: tpu7x:2x2x1
jax: 0.10.2.dev20260603
libtpu: 0.0.44.dev20260713+nightly
codegen_flags: <defaults>
</compile_context>

<pallas_src>
import functools

import jax
import jax.numpy as jnp
from jax import lax
from jax.experimental import pallas as pl
from jax.experimental.pallas import tpu as pltpu
from jax.experimental.pallas import tpu_sc as plsc

N_NODES = 10000
D = 128
KV = 16
ROT = 4
N_PAD = 10240
NW = 32
V_TOT = N_PAD * KV
CV = 64
NODES_PER_CHUNK = CV // KV
N_CHUNKS = V_TOT // CV
CPW = N_CHUNKS // NW
BN = 512


def _sc_interpolate(sig, ipk, wpk):
    mesh = plsc.VectorSubcoreMesh(
        core_axis_name="c", subcore_axis_name="s", num_cores=2, num_subcores=16)

    @functools.partial(
        pl.kernel,
        mesh=mesh,
        out_type=jax.ShapeDtypeStruct((N_PAD, KV, D), jnp.float32),
        scratch_types=[
            pltpu.VMEM((3 * CV,), jnp.int32),
            pltpu.VMEM((3 * CV + 16,), jnp.float32),
            pltpu.VMEM((3, CV, D), jnp.float32),
            pltpu.VMEM((NODES_PER_CHUNK, KV, D), jnp.float32),
            pltpu.SemaphoreType.DMA,
        ],
    )
    def sc_kernel(sig_hbm, ipk_hbm, wpk_hbm, x_hbm, idx_v, w_v, g_v, x_v, sem):
        wid = lax.axis_index("s") * 2 + lax.axis_index("c")

        def chunk_body(ci, carry):
            g = wid * CPW + ci
            pltpu.sync_copy(ipk_hbm.at[pl.ds(g * 3 * CV, 3 * CV)], idx_v)
            pltpu.sync_copy(wpk_hbm.at[pl.ds(g * 3 * CV, 3 * CV)],
                            w_v.at[pl.ds(0, 3 * CV)])
            cps = [pltpu.async_copy(
                       sig_hbm.at[idx_v.at[pl.ds(k * CV, CV)]],
                       g_v.at[k], sem)
                   for k in range(3)]
            for cp in cps:
                cp.wait()

            def vert_body(t, c2):
                node = t // KV
                v = t % KV
                wa = jnp.full((16,), w_v[pl.ds(t, 16)][0], dtype=jnp.float32)
                wb = jnp.full((16,), w_v[pl.ds(CV + t, 16)][0],
                              dtype=jnp.float32)
                wc = jnp.full((16,), w_v[pl.ds(2 * CV + t, 16)][0],
                              dtype=jnp.float32)
                for l in range(D // 16):
                    s = 16 * l
                    xa = (wa * g_v[0, t, pl.ds(s, 16)]
                          + wb * g_v[1, t, pl.ds(s, 16)]
                          + wc * g_v[2, t, pl.ds(s, 16)])
                    x_v[node, v, pl.ds(s, 16)] = xa
                return c2

            lax.fori_loop(0, CV, vert_body, 0, unroll=False)
            nbase = g * NODES_PER_CHUNK
            pltpu.sync_copy(x_v, x_hbm.at[pl.ds(nbase, NODES_PER_CHUNK)])
            return carry

        lax.fori_loop(0, CPW, chunk_body, 0, unroll=False)

    return sc_kernel(sig, ipk, wpk)


def _tc_body(x_ref, w_ref, o_ref):
    acc = jnp.zeros((BN, ROT * D), dtype=jnp.float32)
    for v in range(KV):
        acc = acc + jnp.dot(x_ref[:, v, :], w_ref[v],
                            preferred_element_type=jnp.float32)
    y = jnp.maximum(acc, 0.0)
    out = y[:, 0:D]
    best = jnp.sum(out * out, axis=1, keepdims=True)
    for r in range(1, ROT):
        yr = y[:, r * D:(r + 1) * D]
        nr = jnp.sum(yr * yr, axis=1, keepdims=True)
        gt = nr > best
        out = jnp.where(gt, yr, out)
        best = jnp.where(gt, nr, best)
    o_ref[...] = out


def _tc_conv(x, w3):
    return pl.pallas_call(
        _tc_body,
        grid=(N_PAD // BN,),
        in_specs=[
            pl.BlockSpec((BN, KV, D), lambda i: (i, 0, 0)),
            pl.BlockSpec((KV, D, ROT * D), lambda i: (0, 0, 0)),
        ],
        out_specs=pl.BlockSpec((BN, D), lambda i: (i, 0)),
        out_shape=jax.ShapeDtypeStruct((N_PAD, D), jnp.float32),
    )(x, w3)


def _prep_indices(bc):
    idx = bc[..., 3::2].astype(jnp.int32)
    w = bc[..., 2::2]
    idx = idx.reshape(N_NODES * KV, 3)
    w = w.reshape(N_NODES * KV, 3)
    pad = V_TOT - N_NODES * KV
    idx = jnp.pad(idx, ((0, pad), (0, 0)))
    w = jnp.pad(w, ((0, pad), (0, 0)))
    ipk = idx.reshape(N_CHUNKS, CV, 3).transpose(0, 2, 1).reshape(-1)
    wpk = w.reshape(N_CHUNKS, CV, 3).transpose(0, 2, 1).reshape(-1)
    return ipk, wpk


def _prep_weights(kern):
    k2 = kern[:, :, 0]
    krot = jnp.stack([jnp.roll(k2, -r, axis=1) for r in range(ROT)], axis=0)
    w3 = krot.transpose(1, 2, 4, 0, 3)
    return w3.reshape(KV, D, ROT * D)


def kernel(signal, b_coordinates, kernel):
    sig = signal[0]
    bc = b_coordinates[0]
    ipk, wpk = _prep_indices(bc)
    w3 = _prep_weights(kernel)
    x = _sc_interpolate(sig, ipk, wpk)
    out = _tc_conv(x, w3)
    return out[:N_NODES][None]

# --- scband reference (transcript-rebuilt; emitter-appended) ---
"""Pipeline reference for scband-conv-geodesic-46480136077420 (READ-ONLY COPY).

The authoritative reference and input builder live on the scoring server;
editing this copy changes nothing except your own understanding.
"""

import jax, jax.numpy as jnp
import numpy as np

BATCH = 1
N_NODES = 10000
SIGNAL_DIM = 128
OUTPUT_DIM = 128
KERNEL_RADIAL = 4
KERNEL_ANGULAR = 4
AMT_KERNEL = 1
KV = KERNEL_RADIAL * KERNEL_ANGULAR


def setup_inputs(seed: int = 0) -> dict:
    key = jax.random.key(seed)
    k1, k2, k3, k4 = jax.random.split(key, 4)
    signal = jax.random.normal(k1, (BATCH, N_NODES, SIGNAL_DIM), dtype=jnp.float32)
    # Barycentric coords layout per kernel vertex: [ang, rad, w1, i1, w2, i2, w3, i3]
    idx = jax.random.randint(k2, (BATCH, N_NODES, KV, 3), 0, N_NODES)
    w = jax.random.uniform(k3, (BATCH, N_NODES, KV, 3), dtype=jnp.float32) + 1e-3
    w = w / jnp.sum(w, axis=-1, keepdims=True)
    bc = jnp.zeros((BATCH, N_NODES, KV, 8), dtype=jnp.float32)
    bc = bc.at[..., 2].set(w[..., 0]).at[..., 3].set(idx[..., 0].astype(jnp.float32))
    bc = bc.at[..., 4].set(w[..., 1]).at[..., 5].set(idx[..., 1].astype(jnp.float32))
    bc = bc.at[..., 6].set(w[..., 2]).at[..., 7].set(idx[..., 2].astype(jnp.float32))
    # glorot_uniform kernel: (K_rad, K_ang, amt_kernel, output_dim, signal_dim)
    fan_in = SIGNAL_DIM
    fan_out = OUTPUT_DIM
    limit = float(np.sqrt(6.0 / (fan_in + fan_out)))
    kernel = jax.random.uniform(
        k4, (KERNEL_RADIAL, KERNEL_ANGULAR, AMT_KERNEL, OUTPUT_DIM, SIGNAL_DIM),
        minval=-limit, maxval=limit, dtype=jnp.float32)
    return {"signal": signal, "b_coordinates": bc, "kernel": kernel}


def _angular_max_pooling(res):
    # res: (m, r, o) -> pick rotation with maximal euclidean norm per vertex
    norms = jnp.linalg.norm(res, axis=-1)
    best = jnp.argmax(norms, axis=-1)
    return jnp.take_along_axis(res, best[:, None, None], axis=1)[:, 0, :]


def _conv_single(signal_b, bc_b, kernel):
    # signal_b: (m, n); bc_b: (m, KV, 8)
    i1 = jax.lax.stop_gradient(bc_b[..., 3]).astype(jnp.int32)
    i2 = jax.lax.stop_gradient(bc_b[..., 5]).astype(jnp.int32)
    i3 = jax.lax.stop_gradient(bc_b[..., 7]).astype(jnp.int32)
    # signal pullback onto each kernel vertex: x[v, i*Nt+j, :]
    x = (bc_b[..., 2, None] * jnp.take(signal_b, i1, axis=0)
         + bc_b[..., 4, None] * jnp.take(signal_b, i2, axis=0)
         + bc_b[..., 6, None] * jnp.take(signal_b, i3, axis=0))
    x = x.reshape(-1, KERNEL_RADIAL, KERNEL_ANGULAR, SIGNAL_DIM)
    # for each rotation r: sum_{i,j,a} K[i, (j+r) % N_theta, a] @ x[i, j]
    outs = []
    for r in range(KERNEL_ANGULAR):
        k_r = jnp.roll(kernel, shift=-r, axis=1)  # k_r[i, j] = kernel[i, (j+r) % Nt]
        outs.append(jnp.einsum('mijn,ijaon->mo', x, k_r))
    res = jnp.stack(outs, axis=1)  # (m, rotations, output_dim)
    res = jax.nn.relu(res)
    return _angular_max_pooling(res)


def reference(signal, b_coordinates, kernel):
    return jax.vmap(lambda s, b: _conv_single(s, b, kernel))(signal, b_coordinates)

if __name__ == "__main__":
    import jax
    _d = setup_inputs()
    print(jax.jit(kernel)(*tuple(_d.values())))

</pallas_src>

<mosaic_0001>
#map = affine_map<(d0, d1) -> (0, 0)>
#map1 = affine_map<(d0, d1) -> (0)>
#map2 = affine_map<(d0, d1) -> (0, 0, 0)>
module attributes {stable_mosaic.version = 14 : i64} {
  func.func @sc_kernel(%arg0: i32, %arg1: i32, %arg2: memref<10000x128xf32, #tpu.memory_space<hbm>>, %arg3: memref<491520xi32, #tpu.memory_space<hbm>>, %arg4: memref<491520xf32, #tpu.memory_space<hbm>>, %arg5: memref<10240x16x128xf32, #tpu.memory_space<hbm>>, %arg6: memref<192xi32, #tpu.memory_space<vmem>>, %arg7: memref<208xf32, #tpu.memory_space<vmem>>, %arg8: memref<3x64x128xf32, #tpu.memory_space<vmem>>, %arg9: memref<4x16x128xf32, #tpu.memory_space<vmem>>, %arg10: memref<!tpu.dma_semaphore, #tpu.memory_space<semaphore_mem>>) attributes {dimension_semantics = [#tpu.dimension_semantics<core_parallel>, #tpu.dimension_semantics<subcore_parallel>], iteration_bounds = array<i64: 2, 16>, scalar_prefetch = 0 : i64, scratch_operands = 5 : i64, tpu.core_type = #tpu.core_type<sc_vector_subcore>, window_params = [{transform_indices = #map}, {transform_indices = #map1}, {transform_indices = #map1}, {transform_indices = #map2}]} {
    %mul3A = arith.constant 2 : i32
    %mul3A_0 = arith.muli %arg1, %mul3A : i32
    %add3A = arith.addi %mul3A_0, %arg0 : i32
    %scan3A = arith.constant 0 : i32
    %scan3A_1 = arith.constant 0 : i32
    %scan3A_2 = arith.constant 80 : i32
    %scan3A_3 = arith.addi %scan3A_1, %scan3A_2 : i32
    %scan3A_4 = arith.constant 1 : i32
    scf.for %scan3A_6 = %scan3A_1 to %scan3A_3 step %scan3A_4  : i32 {
      %mul3A_7 = arith.constant 80 : i32
      %mul3A_8 = arith.muli %add3A, %mul3A_7 : i32
      %add3A_9 = arith.addi %mul3A_8, %scan3A_6 : i32
      %mul3A_10 = arith.constant 3 : i32
      %mul3A_11 = arith.muli %add3A_9, %mul3A_10 : i32
      %mul3A_12 = arith.constant 64 : i32
      %mul3A_13 = arith.muli %mul3A_11, %mul3A_12 : i32
      "tpu.region"() ({
        %run_scoped3A = tpu.sem_alloc : memref<!tpu.dma_semaphore, #tpu.memory_space<semaphore_mem>>
        %dma_start3A_84 = tpu.memref_slice %arg3[%mul3A_13] : memref<491520xi32, #tpu.memory_space<hbm>> -> memref<192xi32, #tpu.memory_space<hbm>>
        %dma_start3A_85 = tpu.memref_slice %arg3[%mul3A_13] : memref<491520xi32, #tpu.memory_space<hbm>> -> memref<192xi32, #tpu.memory_space<hbm>>
        tpu.enqueue_dma source(%dma_start3A_85 : memref<192xi32, #tpu.memory_space<hbm>>) target(%arg6 : memref<192xi32, #tpu.memory_space<vmem>>) target_semaphore(%run_scoped3A : memref<!tpu.dma_semaphore, #tpu.memory_space<semaphore_mem>>)
        %dma_wait3A_86 = tpu.memref_slice %arg3[%mul3A_13] : memref<491520xi32, #tpu.memory_space<hbm>> -> memref<192xi32, #tpu.memory_space<hbm>>
        %dma_wait3A_87 = tpu.memref_slice %arg3[%mul3A_13] : memref<491520xi32, #tpu.memory_space<hbm>> -> memref<192xi32, #tpu.memory_space<hbm>>
        tpu.wait_dma2 semaphore(%run_scoped3A : memref<!tpu.dma_semaphore, #tpu.memory_space<semaphore_mem>>) src(%dma_wait3A_87 : memref<192xi32, #tpu.memory_space<hbm>>) dst(%arg6 : memref<192xi32, #tpu.memory_space<vmem>>)
        tpu.yield
      }) : () -> ()
      %mul3A_14 = arith.constant 3 : i32
      %mul3A_15 = arith.muli %add3A_9, %mul3A_14 : i32
      %mul3A_16 = arith.constant 64 : i32
      %mul3A_17 = arith.muli %mul3A_15, %mul3A_16 : i32
      "tpu.region"() ({
        %run_scoped3A = tpu.sem_alloc : memref<!tpu.dma_semaphore, #tpu.memory_space<semaphore_mem>>
        %dma_start3A_84 = arith.constant 0 : i32
        %dma_start3A_85 = tpu.memref_slice %arg7[%dma_start3A_84] : memref<208xf32, #tpu.memory_space<vmem>> -> memref<192xf32, #tpu.memory_space<vmem>>
        %dma_start3A_86 = tpu.memref_slice %arg4[%mul3A_17] : memref<491520xf32, #tpu.memory_space<hbm>> -> memref<192xf32, #tpu.memory_space<hbm>>
        %dma_start3A_87 = arith.constant 0 : i32
        %dma_start3A_88 = tpu.memref_slice %arg7[%dma_start3A_87] : memref<208xf32, #tpu.memory_space<vmem>> -> memref<192xf32, #tpu.memory_space<vmem>>
        %dma_start3A_89 = tpu.memref_slice %arg4[%mul3A_17] : memref<491520xf32, #tpu.memory_space<hbm>> -> memref<192xf32, #tpu.memory_space<hbm>>
        tpu.enqueue_dma source(%dma_start3A_89 : memref<192xf32, #tpu.memory_space<hbm>>) target(%dma_start3A_88 : memref<192xf32, #tpu.memory_space<vmem>>) target_semaphore(%run_scoped3A : memref<!tpu.dma_semaphore, #tpu.memory_space<semaphore_mem>>)
        %dma_wait3A_90 = arith.constant 0 : i32
        %dma_wait3A_91 = tpu.memref_slice %arg7[%dma_wait3A_90] : memref<208xf32, #tpu.memory_space<vmem>> -> memref<192xf32, #tpu.memory_space<vmem>>
        %dma_wait3A_92 = tpu.memref_slice %arg4[%mul3A_17] : memref<491520xf32, #tpu.memory_space<hbm>> -> memref<192xf32, #tpu.memory_space<hbm>>
        %dma_wait3A_93 = arith.constant 0 : i32
        %dma_wait3A_94 = tpu.memref_slice %arg7[%dma_wait3A_93] : memref<208xf32, #tpu.memory_space<vmem>> -> memref<192xf32, #tpu.memory_space<vmem>>
        %dma_wait3A_95 = tpu.memref_slice %arg4[%mul3A_17] : memref<491520xf32, #tpu.memory_space<hbm>> -> memref<192xf32, #tpu.memory_space<hbm>>
        tpu.wait_dma2 semaphore(%run_scoped3A : memref<!tpu.dma_semaphore, #tpu.memory_space<semaphore_mem>>) src(%dma_wait3A_95 : memref<192xf32, #tpu.memory_space<hbm>>) dst(%dma_wait3A_94 : memref<192xf32, #tpu.memory_space<vmem>>)
        tpu.yield
      }) : () -> ()
      %dma_start3A = arith.constant 0 : i32
      %dma_start3A_18 = arith.constant 0 : i32
      %dma_start3A_19 = arith.constant 0 : i32
      %dma_start3A_20 = tpu.memref_slice %arg8[%dma_start3A, %dma_start3A_18, %dma_start3A_19] : memref<3x64x128xf32, #tpu.memory_space<vmem>> -> memref<1x64x128xf32, #tpu.memory_space<vmem>>
      %dma_start3A_21 = tpu.memref_squeeze %dma_start3A_20 : memref<1x64x128xf32, #tpu.memory_space<vmem>> -> memref<64x128xf32, #tpu.memory_space<vmem>>
      %dma_start3A_22 = arith.constant 0 : i32
      %dma_start3A_23 = tpu.memref_slice %arg6[%dma_start3A_22] : memref<192xi32, #tpu.memory_space<vmem>> -> memref<64xi32, #tpu.memory_space<vmem>>
      %dma_start3A_24 = arith.constant 0 : i32
      %dma_start3A_25 = arith.constant 0 : i32
      %dma_start3A_26 = tpu.memref_slice %arg2[%dma_start3A_24, %dma_start3A_25] : memref<10000x128xf32, #tpu.memory_space<hbm>> -> memref<10000x128xf32, #tpu.memory_space<hbm>>
      tpu.enqueue_indirect_dma source(%dma_start3A_26 : memref<10000x128xf32, #tpu.memory_space<hbm>>) target(%dma_start3A_21 : memref<64x128xf32, #tpu.memory_space<vmem>>) offsets(%dma_start3A_23 : memref<64xi32, #tpu.memory_space<vmem>>) semaphore(%arg10 : memref<!tpu.dma_semaphore, #tpu.memory_space<semaphore_mem>>)
      %dma_start3A_27 = arith.constant 1 : i32
      %dma_start3A_28 = arith.constant 0 : i32
      %dma_start3A_29 = arith.constant 0 : i32
      %dma_start3A_30 = tpu.memref_slice %arg8[%dma_start3A_27, %dma_start3A_28, %dma_start3A_29] : memref<3x64x128xf32, #tpu.memory_space<vmem>> -> memref<1x64x128xf32, #tpu.memory_space<vmem>>
      %dma_start3A_31 = tpu.memref_squeeze %dma_start3A_30 : memref<1x64x128xf32, #tpu.memory_space<vmem>> -> memref<64x128xf32, #tpu.memory_space<vmem>>
      %dma_start3A_32 = arith.constant 64 : i32
      %dma_start3A_33 = tpu.memref_slice %arg6[%dma_start3A_32] : memref<192xi32, #tpu.memory_space<vmem>> -> memref<64xi32, #tpu.memory_space<vmem>>
      %dma_start3A_34 = arith.constant 0 : i32
      %dma_start3A_35 = arith.constant 0 : i32
      %dma_start3A_36 = tpu.memref_slice %arg2[%dma_start3A_34, %dma_start3A_35] : memref<10000x128xf32, #tpu.memory_space<hbm>> -> memref<10000x128xf32, #tpu.memory_space<hbm>>
      tpu.enqueue_indirect_dma source(%dma_start3A_36 : memref<10000x128xf32, #tpu.memory_space<hbm>>) target(%dma_start3A_31 : memref<64x128xf32, #tpu.memory_space<vmem>>) offsets(%dma_start3A_33 : memref<64xi32, #tpu.memory_space<vmem>>) semaphore(%arg10 : memref<!tpu.dma_semaphore, #tpu.memory_space<semaphore_mem>>)
      %dma_start3A_37 = arith.constant 2 : i32
      %dma_start3A_38 = arith.constant 0 : i32
      %dma_start3A_39 = arith.constant 0 : i32
      %dma_start3A_40 = tpu.memref_slice %arg8[%dma_start3A_37, %dma_start3A_38, %dma_start3A_39] : memref<3x64x128xf32, #tpu.memory_space<vmem>> -> memref<1x64x128xf32, #tpu.memory_space<vmem>>
      %dma_start3A_41 = tpu.memref_squeeze %dma_start3A_40 : memref<1x64x128xf32, #tpu.memory_space<vmem>> -> memref<64x128xf32, #tpu.memory_space<vmem>>
      %dma_start3A_42 = arith.constant 128 : i32
      %dma_start3A_43 = tpu.memref_slice %arg6[%dma_start3A_42] : memref<192xi32, #tpu.memory_space<vmem>> -> memref<64xi32, #tpu.memory_space<vmem>>
      %dma_start3A_44 = arith.constant 0 : i32
      %dma_start3A_45 = arith.constant 0 : i32
      %dma_start3A_46 = tpu.memref_slice %arg2[%dma_start3A_44, %dma_start3A_45] : memref<10000x128xf32, #tpu.memory_space<hbm>> -> memref<10000x128xf32, #tpu.memory_space<hbm>>
      tpu.enqueue_indirect_dma source(%dma_start3A_46 : memref<10000x128xf32, #tpu.memory_space<hbm>>) target(%dma_start3A_41 : memref<64x128xf32, #tpu.memory_space<vmem>>) offsets(%dma_start3A_43 : memref<64xi32, #tpu.memory_space<vmem>>) semaphore(%arg10 : memref<!tpu.dma_semaphore, #tpu.memory_space<semaphore_mem>>)
      %dma_wait3A = arith.constant 0 : i32
      %dma_wait3A_47 = arith.constant 0 : i32
      %dma_wait3A_48 = arith.constant 0 : i32
      %dma_wait3A_49 = tpu.memref_slice %arg8[%dma_wait3A, %dma_wait3A_47, %dma_wait3A_48] : memref<3x64x128xf32, #tpu.memory_space<vmem>> -> memref<1x64x128xf32, #tpu.memory_space<vmem>>
      %dma_wait3A_50 = tpu.memref_squeeze %dma_wait3A_49 : memref<1x64x128xf32, #tpu.memory_space<vmem>> -> memref<64x128xf32, #tpu.memory_space<vmem>>
      %dma_wait3A_51 = arith.constant 0 : i32
      %dma_wait3A_52 = tpu.memref_slice %arg6[%dma_wait3A_51] : memref<192xi32, #tpu.memory_space<vmem>> -> memref<64xi32, #tpu.memory_space<vmem>>
      %dma_wait3A_53 = arith.constant 0 : i32
      %dma_wait3A_54 = arith.constant 0 : i32
      %dma_wait3A_55 = tpu.memref_slice %arg2[%dma_wait3A_53, %dma_wait3A_54] : memref<10000x128xf32, #tpu.memory_space<hbm>> -> memref<10000x128xf32, #tpu.memory_space<hbm>>
      tpu.wait_indirect_dma semaphore(%arg10 : memref<!tpu.dma_semaphore, #tpu.memory_space<semaphore_mem>>) src(%dma_wait3A_55 : memref<10000x128xf32, #tpu.memory_space<hbm>>) dst(%dma_wait3A_50 : memref<64x128xf32, #tpu.memory_space<vmem>>)
      %dma_wait3A_56 = arith.constant 1 : i32
      %dma_wait3A_57 = arith.constant 0 : i32
      %dma_wait3A_58 = arith.constant 0 : i32
      %dma_wait3A_59 = tpu.memref_slice %arg8[%dma_wait3A_56, %dma_wait3A_57, %dma_wait3A_58] : memref<3x64x128xf32, #tpu.memory_space<vmem>> -> memref<1x64x128xf32, #tpu.memory_space<vmem>>
      %dma_wait3A_60 = tpu.memref_squeeze %dma_wait3A_59 : memref<1x64x128xf32, #tpu.memory_space<vmem>> -> memref<64x128xf32, #tpu.memory_space<vmem>>
      %dma_wait3A_61 = arith.constant 64 : i32
      %dma_wait3A_62 = tpu.memref_slice %arg6[%dma_wait3A_61] : memref<192xi32, #tpu.memory_space<vmem>> -> memref<64xi32, #tpu.memory_space<vmem>>
      %dma_wait3A_63 = arith.constant 0 : i32
      %dma_wait3A_64 = arith.constant 0 : i32
      %dma_wait3A_65 = tpu.memref_slice %arg2[%dma_wait3A_63, %dma_wait3A_64] : memref<10000x128xf32, #tpu.memory_space<hbm>> -> memref<10000x128xf32, #tpu.memory_space<hbm>>
      tpu.wait_indirect_dma semaphore(%arg10 : memref<!tpu.dma_semaphore, #tpu.memory_space<semaphore_mem>>) src(%dma_wait3A_65 : memref<10000x128xf32, #tpu.memory_space<hbm>>) dst(%dma_wait3A_60 : memref<64x128xf32, #tpu.memory_space<vmem>>)
      %dma_wait3A_66 = arith.constant 2 : i32
      %dma_wait3A_67 = arith.constant 0 : i32
      %dma_wait3A_68 = arith.constant 0 : i32
      %dma_wait3A_69 = tpu.memref_slice %arg8[%dma_wait3A_66, %dma_wait3A_67, %dma_wait3A_68] : memref<3x64x128xf32, #tpu.memory_space<vmem>> -> memref<1x64x128xf32, #tpu.memory_space<vmem>>
      %dma_wait3A_70 = tpu.memref_squeeze %dma_wait3A_69 : memref<1x64x128xf32, #tpu.memory_space<vmem>> -> memref<64x128xf32, #tpu.memory_space<vmem>>
      %dma_wait3A_71 = arith.constant 128 : i32
      %dma_wait3A_72 = tpu.memref_slice %arg6[%dma_wait3A_71] : memref<192xi32, #tpu.memory_space<vmem>> -> memref<64xi32, #tpu.memory_space<vmem>>
      %dma_wait3A_73 = arith.constant 0 : i32
      %dma_wait3A_74 = arith.constant 0 : i32
      %dma_wait3A_75 = tpu.memref_slice %arg2[%dma_wait3A_73, %dma_wait3A_74] : memref<10000x128xf32, #tpu.memory_space<hbm>> -> memref<10000x128xf32, #tpu.memory_space<hbm>>
      tpu.wait_indirect_dma semaphore(%arg10 : memref<!tpu.dma_semaphore, #tpu.memory_space<semaphore_mem>>) src(%dma_wait3A_75 : memref<10000x128xf32, #tpu.memory_space<hbm>>) dst(%dma_wait3A_70 : memref<64x128xf32, #tpu.memory_space<vmem>>)
      %scan3A_76 = arith.constant 0 : i32
      %scan3A_77 = arith.constant 0 : i32
      %scan3A_78 = arith.constant 64 : i32
      %scan3A_79 = arith.addi %scan3A_77, %scan3A_78 : i32
      %scan3A_80 = arith.constant 1 : i32
      scf.for %scan3A_84 = %scan3A_77 to %scan3A_79 step %scan3A_80  : i32 {
        %jit3A = arith.constant 16 : i32
        %div3A = arith.divsi %scan3A_84, %jit3A : i32
        %sign3A = arith.constant 0 : i32
        %sign3A_85 = arith.cmpi sgt, %scan3A_84, %sign3A : i32
        %sign3A_86 = arith.extui %sign3A_85 : i1 to i32
        %sign3A_87 = arith.constant 0 : i32
        %sign3A_88 = arith.cmpi slt, %scan3A_84, %sign3A_87 : i32
        %sign3A_89 = arith.extui %sign3A_88 : i1 to i32
        %sign3A_90 = arith.subi %sign3A_86, %sign3A_89 : i32
        %sign3A_91 = arith.constant 0 : i32
        %sign3A_92 = arith.cmpi sgt, %jit3A, %sign3A_91 : i32
        %sign3A_93 = arith.extui %sign3A_92 : i1 to i32
        %sign3A_94 = arith.constant 0 : i32
        %sign3A_95 = arith.cmpi slt, %jit3A, %sign3A_94 : i32
        %sign3A_96 = arith.extui %sign3A_95 : i1 to i32
        %sign3A_97 = arith.subi %sign3A_93, %sign3A_96 : i32
        %ne3A = arith.cmpi ne, %sign3A_90, %sign3A_97 : i32
        %rem3A = arith.remsi %scan3A_84, %jit3A : i32
        %ne3A_98 = arith.constant 0 : i32
        %ne3A_99 = arith.cmpi ne, %rem3A, %ne3A_98 : i32
        %and3A = arith.andi %ne3A, %ne3A_99 : i1
        %sub3A = arith.constant 1 : i32
        %sub3A_100 = arith.subi %div3A, %sub3A : i32
        %select_n3A = arith.select %and3A, %sub3A_100, %div3A : i32
        %jit3A_101 = arith.constant 16 : i32
        %eq3A = arith.constant 0 : i32
        %eq3A_102 = arith.cmpi eq, %jit3A_101, %eq3A : i32
        %jit3A_103 = arith.constant 1 : i32
        %select_n3A_104 = arith.select %eq3A_102, %jit3A_103, %jit3A_101 : i32
        %rem3A_105 = arith.remsi %scan3A_84, %select_n3A_104 : i32
        %ne3A_106 = arith.constant 0 : i32
        %ne3A_107 = arith.cmpi ne, %rem3A_105, %ne3A_106 : i32
        %lt3A = arith.constant 0 : i32
        %lt3A_108 = arith.cmpi slt, %rem3A_105, %lt3A : i32
        %lt3A_109 = arith.constant 0 : i32
        %lt3A_110 = arith.cmpi slt, %select_n3A_104, %lt3A_109 : i32
        %ne3A_111 = arith.xori %lt3A_108, %lt3A_110 : i1
        %and3A_112 = arith.andi %ne3A_111, %ne3A_107 : i1
        %add3A_113 = arith.addi %rem3A_105, %select_n3A_104 : i32
        %select_n3A_114 = arith.select %and3A_112, %add3A_113, %rem3A_105 : i32
        %get3A = arith.index_cast %scan3A_84 : i32 to index
        %get3A_115 = tpu.vector_load %arg7[%get3A] {strides = array<i32>} : memref<208xf32, #tpu.memory_space<vmem>>, vector<16xf32>,
        %get3A_116 = vector.shape_cast %get3A_115 : vector<16xf32> to vector<16xf32>
        %slice3A = vector.extract_strided_slice %get3A_116 {offsets = [0], sizes = [1], strides = [1]} : vector<16xf32> to vector<1xf32>
        %squeeze3A = vector.extract %slice3A[0] : f32 from vector<1xf32>
        %broadcast_in_dim3A = vector.broadcast %squeeze3A : f32 to vector<16xf32>
        %add3A_117 = arith.constant 64 : i32
        %add3A_118 = arith.addi %add3A_117, %scan3A_84 : i32
        %get3A_119 = arith.index_cast %add3A_118 : i32 to index
        %get3A_120 = tpu.vector_load %arg7[%get3A_119] {strides = array<i32>} : memref<208xf32, #tpu.memory_space<vmem>>, vector<16xf32>,
        %get3A_121 = vector.shape_cast %get3A_120 : vector<16xf32> to vector<16xf32>
        %slice3A_122 = vector.extract_strided_slice %get3A_121 {offsets = [0], sizes = [1], strides = [1]} : vector<16xf32> to vector<1xf32>
        %squeeze3A_123 = vector.extract %slice3A_122[0] : f32 from vector<1xf32>
        %broadcast_in_dim3A_124 = vector.broadcast %squeeze3A_123 : f32 to vector<16xf32>
        %add3A_125 = arith.constant 128 : i32
        %add3A_126 = arith.addi %add3A_125, %scan3A_84 : i32
        %get3A_127 = arith.index_cast %add3A_126 : i32 to index
        %get3A_128 = tpu.vector_load %arg7[%get3A_127] {strides = array<i32>} : memref<208xf32, #tpu.memory_space<vmem>>, vector<16xf32>,
        %get3A_129 = vector.shape_cast %get3A_128 : vector<16xf32> to vector<16xf32>
        %slice3A_130 = vector.extract_strided_slice %get3A_129 {offsets = [0], sizes = [1], strides = [1]} : vector<16xf32> to vector<1xf32>
        %squeeze3A_131 = vector.extract %slice3A_130[0] : f32 from vector<1xf32>
        %broadcast_in_dim3A_132 = vector.broadcast %squeeze3A_131 : f32 to vector<16xf32>
        %get3A_133 = arith.constant 0 : i32
        %get3A_134 = arith.index_cast %get3A_133 : i32 to index
        %get3A_135 = arith.index_cast %scan3A_84 : i32 to index
        %get3A_136 = arith.constant 0 : index
        %get3A_137 = tpu.vector_load %arg8[%get3A_134, %get3A_135, %get3A_136] {strides = array<i32>} : memref<3x64x128xf32, #tpu.memory_space<vmem>>, vector<1x1x16xf32>,
        %get3A_138 = vector.shape_cast %get3A_137 : vector<1x1x16xf32> to vector<16xf32>
        %mul3A_139 = arith.mulf %broadcast_in_dim3A, %get3A_138 : vector<16xf32>
        %get3A_140 = arith.constant 1 : i32
        %get3A_141 = arith.index_cast %get3A_140 : i32 to index
        %get3A_142 = arith.index_cast %scan3A_84 : i32 to index
        %get3A_143 = arith.constant 0 : index
        %get3A_144 = tpu.vector_load %arg8[%get3A_141, %get3A_142, %get3A_143] {strides = array<i32>} : memref<3x64x128xf32, #tpu.memory_space<vmem>>, vector<1x1x16xf32>,
        %get3A_145 = vector.shape_cast %get3A_144 : vector<1x1x16xf32> to vector<16xf32>
        %mul3A_146 = arith.mulf %broadcast_in_dim3A_124, %get3A_145 : vector<16xf32>
        %add3A_147 = arith.addf %mul3A_139, %mul3A_146 : vector<16xf32>
        %get3A_148 = arith.constant 2 : i32
        %get3A_149 = arith.index_cast %get3A_148 : i32 to index
        %get3A_150 = arith.index_cast %scan3A_84 : i32 to index
        %get3A_151 = arith.constant 0 : index
        %get3A_152 = tpu.vector_load %arg8[%get3A_149, %get3A_150, %get3A_151] {strides = array<i32>} : memref<3x64x128xf32, #tpu.memory_space<vmem>>, vector<1x1x16xf32>,
        %get3A_153 = vector.shape_cast %get3A_152 : vector<1x1x16xf32> to vector<16xf32>
        %mul3A_154 = arith.mulf %broadcast_in_dim3A_132, %get3A_153 : vector<16xf32>
        %add3A_155 = arith.addf %add3A_147, %mul3A_154 : vector<16xf32>
        %swap3A = arith.index_cast %select_n3A : i32 to index
        %swap3A_156 = arith.index_cast %select_n3A_114 : i32 to index
        %swap3A_157 = arith.constant 0 : index
        %swap3A_158 = tpu.vector_load %arg9[%swap3A, %swap3A_156, %swap3A_157] {strides = array<i32>} : memref<4x16x128xf32, #tpu.memory_space<vmem>>, vector<1x1x16xf32>,
        %swap3A_159 = vector.shape_cast %swap3A_158 : vector<1x1x16xf32> to vector<16xf32>
        %swap3A_160 = vector.shape_cast %add3A_155 : vector<16xf32> to vector<1x1x16xf32>
        tpu.vector_store %arg9[%swap3A, %swap3A_156, %swap3A_157], %swap3A_160 {strides = array<i32>} : memref<4x16x128xf32, #tpu.memory_space<vmem>>, vector<1x1x16xf32>,
        %get3A_161 = arith.constant 0 : i32
        %get3A_162 = arith.index_cast %get3A_161 : i32 to index
        %get3A_163 = arith.index_cast %scan3A_84 : i32 to index
        %get3A_164 = arith.constant 16 : index
        %get3A_165 = tpu.vector_load %arg8[%get3A_162, %get3A_163, %get3A_164] {strides = array<i32>} : memref<3x64x128xf32, #tpu.memory_space<vmem>>, vector<1x1x16xf32>,
        %get3A_166 = vector.shape_cast %get3A_165 : vector<1x1x16xf32> to vector<16xf32>
        %mul3A_167 = arith.mulf %broadcast_in_dim3A, %get3A_166 : vector<16xf32>
        %get3A_168 = arith.constant 1 : i32
        %get3A_169 = arith.index_cast %get3A_168 : i32 to index
        %get3A_170 = arith.index_cast %scan3A_84 : i32 to index
        %get3A_171 = arith.constant 16 : index
        %get3A_172 = tpu.vector_load %arg8[%get3A_169, %get3A_170, %get3A_171] {strides = array<i32>} : memref<3x64x128xf32, #tpu.memory_space<vmem>>, vector<1x1x16xf32>,
        %get3A_173 = vector.shape_cast %get3A_172 : vector<1x1x16xf32> to vector<16xf32>
        %mul3A_174 = arith.mulf %broadcast_in_dim3A_124, %get3A_173 : vector<16xf32>
        %add3A_175 = arith.addf %mul3A_167, %mul3A_174 : vector<16xf32>
        %get3A_176 = arith.constant 2 : i32
        %get3A_177 = arith.index_cast %get3A_176 : i32 to index
        %get3A_178 = arith.index_cast %scan3A_84 : i32 to index
        %get3A_179 = arith.constant 16 : index
        %get3A_180 = tpu.vector_load %arg8[%get3A_177, %get3A_178, %get3A_179] {strides = array<i32>} : memref<3x64x128xf32, #tpu.memory_space<vmem>>, vector<1x1x16xf32>,
        %get3A_181 = vector.shape_cast %get3A_180 : vector<1x1x16xf32> to vector<16xf32>
        %mul3A_182 = arith.mulf %broadcast_in_dim3A_132, %get3A_181 : vector<16xf32>
        %add3A_183 = arith.addf %add3A_175, %mul3A_182 : vector<16xf32>
        %swap3A_184 = arith.index_cast %select_n3A : i32 to index
        %swap3A_185 = arith.index_cast %select_n3A_114 : i32 to index
        %swap3A_186 = arith.constant 16 : index
        %swap3A_187 = tpu.vector_load %arg9[%swap3A_184, %swap3A_185, %swap3A_186] {strides = array<i32>} : memref<4x16x128xf32, #tpu.memory_space<vmem>>, vector<1x1x16xf32>,
        %swap3A_188 = vector.shape_cast %swap3A_187 : vector<1x1x16xf32> to vector<16xf32>
        %swap3A_189 = vector.shape_cast %add3A_183 : vector<16xf32> to vector<1x1x16xf32>
        tpu.vector_store %arg9[%swap3A_184, %swap3A_185, %swap3A_186], %swap3A_189 {strides = array<i32>} : memref<4x16x128xf32, #tpu.memory_space<vmem>>, vector<1x1x16xf32>,
        %get3A_190 = arith.constant 0 : i32
        %get3A_191 = arith.index_cast %get3A_190 : i32 to index
        %get3A_192 = arith.index_cast %scan3A_84 : i32 to index
        %get3A_193 = arith.constant 32 : index
        %get3A_194 = tpu.vector_load %arg8[%get3A_191, %get3A_192, %get3A_193] {strides = array<i32>} : memref<3x64x128xf32, #tpu.memory_space<vmem>>, vector<1x1x16xf32>,
        %get3A_195 = vector.shape_cast %get3A_194 : vector<1x1x16xf32> to vector<16xf32>
        %mul3A_196 = arith.mulf %broadcast_in_dim3A, %get3A_195 : vector<16xf32>
        %get3A_197 = arith.constant 1 : i32
        %get3A_198 = arith.index_cast %get3A_197 : i32 to index
        %get3A_199 = arith.index_cast %scan3A_84 : i32 to index
        %get3A_200 = arith.constant 32 : index
        %get3A_201 = tpu.vector_load %arg8[%get3A_198, %get3A_199, %get3A_200] {strides = array<i32>} : memref<3x64x128xf32, #tpu.memory_space<vmem>>, vector<1x1x16xf32>,
        %get3A_202 = vector.shape_cast %get3A_201 : vector<1x1x16xf32> to vector<16xf32>
        %mul3A_203 = arith.mulf %broadcast_in_dim3A_124, %get3A_202 : vector<16xf32>
        %add3A_204 = arith.addf %mul3A_196, %mul3A_203 : vector<16xf32>
        %get3A_205 = arith.constant 2 : i32
        %get3A_206 = arith.index_cast %get3A_205 : i32 to index
        %get3A_207 = arith.index_cast %scan3A_84 : i32 to index
        %get3A_208 = arith.constant 32 : index
        %get3A_209 = tpu.vector_load %arg8[%get3A_206, %get3A_207, %get3A_208] {strides = array<i32>} : memref<3x64x128xf32, #tpu.memory_space<vmem>>, vector<1x1x16xf32>,
        %get3A_210 = vector.shape_cast %get3A_209 : vector<1x1x16xf32> to vector<16xf32>
        %mul3A_211 = arith.mulf %broadcast_in_dim3A_132, %get3A_210 : vector<16xf32>
        %add3A_212 = arith.addf %add3A_204, %mul3A_211 : vector<16xf32>
        %swap3A_213 = arith.index_cast %select_n3A : i32 to index
        %swap3A_214 = arith.index_cast %select_n3A_114 : i32 to index
        %swap3A_215 = arith.constant 32 : index
        %swap3A_216 = tpu.vector_load %arg9[%swap3A_213, %swap3A_214, %swap3A_215] {strides = array<i32>} : memref<4x16x128xf32, #tpu.memory_space<vmem>>, vector<1x1x16xf32>,
        %swap3A_217 = vector.shape_cast %swap3A_216 : vector<1x1x16xf32> to vector<16xf32>
        %swap3A_218 = vector.shape_cast %add3A_212 : vector<16xf32> to vector<1x1x16xf32>
        tpu.vector_store %arg9[%swap3A_213, %swap3A_214, %swap3A_215], %swap3A_218 {strides = array<i32>} : memref<4x16x128xf32, #tpu.memory_space<vmem>>, vector<1x1x16xf32>,
        %get3A_219 = arith.constant 0 : i32
        %get3A_220 = arith.index_cast %get3A_219 : i32 to index
        %get3A_221 = arith.index_cast %scan3A_84 : i32 to index
        %get3A_222 = arith.constant 48 : index
        %get3A_223 = tpu.vector_load %arg8[%get3A_220, %get3A_221, %get3A_222] {strides = array<i32>} : memref<3x64x128xf32, #tpu.memory_space<vmem>>, vector<1x1x16xf32>,
        %get3A_224 = vector.shape_cast %get3A_223 : vector<1x1x16xf32> to vector<16xf32>
        %mul3A_225 = arith.mulf %broadcast_in_dim3A, %get3A_224 : vector<16xf32>
        %get3A_226 = arith.constant 1 : i32
        %get3A_227 = arith.index_cast %get3A_226 : i32 to index
        %get3A_228 = arith.index_cast %scan3A_84 : i32 to index
        %get3A_229 = arith.constant 48 : index
        %get3A_230 = tpu.vector_load %arg8[%get3A_227, %get3A_228, %get3A_229] {strides = array<i32>} : memref<3x64x128xf32, #tpu.memory_space<vmem>>, vector<1x1x16xf32>,
        %get3A_231 = vector.shape_cast %get3A_230 : vector<1x1x16xf32> to vector<16xf32>
        %mul3A_232 = arith.mulf %broadcast_in_dim3A_124, %get3A_231 : vector<16xf32>
        %add3A_233 = arith.addf %mul3A_225, %mul3A_232 : vector<16xf32>
        %get3A_234 = arith.constant 2 : i32
        %get3A_235 = arith.index_cast %get3A_234 : i32 to index
        %get3A_236 = arith.index_cast %scan3A_84 : i32 to index
        %get3A_237 = arith.constant 48 : index
        %get3A_238 = tpu.vector_load %arg8[%get3A_235, %get3A_236, %get3A_237] {strides = array<i32>} : memref<3x64x128xf32, #tpu.memory_space<vmem>>, vector<1x1x16xf32>,
        %get3A_239 = vector.shape_cast %get3A_238 : vector<1x1x16xf32> to vector<16xf32>
        %mul3A_240 = arith.mulf %broadcast_in_dim3A_132, %get3A_239 : vector<16xf32>
        %add3A_241 = arith.addf %add3A_233, %mul3A_240 : vector<16xf32>
        %swap3A_242 = arith.index_cast %select_n3A : i32 to index
        %swap3A_243 = arith.index_cast %select_n3A_114 : i32 to index
        %swap3A_244 = arith.constant 48 : index
        %swap3A_245 = tpu.vector_load %arg9[%swap3A_242, %swap3A_243, %swap3A_244] {strides = array<i32>} : memref<4x16x128xf32, #tpu.memory_space<vmem>>, vector<1x1x16xf32>,
        %swap3A_246 = vector.shape_cast %swap3A_245 : vector<1x1x16xf32> to vector<16xf32>
        %swap3A_247 = vector.shape_cast %add3A_241 : vector<16xf32> to vector<1x1x16xf32>
        tpu.vector_store %arg9[%swap3A_242, %swap3A_243, %swap3A_244], %swap3A_247 {strides = array<i32>} : memref<4x16x128xf32, #tpu.memory_space<vmem>>, vector<1x1x16xf32>,
        %get3A_248 = arith.constant 0 : i32
        %get3A_249 = arith.index_cast %get3A_248 : i32 to index
        %get3A_250 = arith.index_cast %scan3A_84 : i32 to index
        %get3A_251 = arith.constant 64 : index
        %get3A_252 = tpu.vector_load %arg8[%get3A_249, %get3A_250, %get3A_251] {strides = array<i32>} : memref<3x64x128xf32, #tpu.memory_space<vmem>>, vector<1x1x16xf32>,
        %get3A_253 = vector.shape_cast %get3A_252 : vector<1x1x16xf32> to vector<16xf32>
        %mul3A_254 = arith.mulf %broadcast_in_dim3A, %get3A_253 : vector<16xf32>
        %get3A_255 = arith.constant 1 : i32
        %get3A_256 = arith.index_cast %get3A_255 : i32 to index
        %get3A_257 = arith.index_cast %scan3A_84 : i32 to index
        %get3A_258 = arith.constant 64 : index
        %get3A_259 = tpu.vector_load %arg8[%get3A_256, %get3A_257, %get3A_258] {strides = array<i32>} : memref<3x64x128xf32, #tpu.memory_space<vmem>>, vector<1x1x16xf32>,
        %get3A_260 = vector.shape_cast %get3A_259 : vector<1x1x16xf32> to vector<16xf32>
        %mul3A_261 = arith.mulf %broadcast_in_dim3A_124, %get3A_260 : vector<16xf32>
        %add3A_262 = arith.addf %mul3A_254, %mul3A_261 : vector<16xf32>
        %get3A_263 = arith.constant 2 : i32
        %get3A_264 = arith.index_cast %get3A_263 : i32 to index
        %get3A_265 = arith.index_cast %scan3A_84 : i32 to index
        %get3A_266 = arith.constant 64 : index
        %get3A_267 = tpu.vector_load %arg8[%get3A_264, %get3A_265, %get3A_266] {strides = array<i32>} : memref<3x64x128xf32, #tpu.memory_space<vmem>>, vector<1x1x16xf32>,
        %get3A_268 = vector.shape_cast %get3A_267 : vector<1x1x16xf32> to vector<16xf32>
        %mul3A_269 = arith.mulf %broadcast_in_dim3A_132, %get3A_268 : vector<16xf32>
        %add3A_270 = arith.addf %add3A_262, %mul3A_269 : vector<16xf32>
        %swap3A_271 = arith.index_cast %select_n3A : i32 to index
        %swap3A_272 = arith.index_cast %select_n3A_114 : i32 to index
        %swap3A_273 = arith.constant 64 : index
        %swap3A_274 = tpu.vector_load %arg9[%swap3A_271, %swap3A_272, %swap3A_273] {strides = array<i32>} : memref<4x16x128xf32, #tpu.memory_space<vmem>>, vector<1x1x16xf32>,
        %swap3A_275 = vector.shape_cast %swap3A_274 : vector<1x1x16xf32> to vector<16xf32>
        %swap3A_276 = vector.shape_cast %add3A_270 : vector<16xf32> to vector<1x1x16xf32>
        tpu.vector_store %arg9[%swap3A_271, %swap3A_272, %swap3A_273], %swap3A_276 {strides = array<i32>} : memref<4x16x128xf32, #tpu.memory_space<vmem>>, vector<1x1x16xf32>,
        %get3A_277 = arith.constant 0 : i32
        %get3A_278 = arith.index_cast %get3A_277 : i32 to index
        %get3A_279 = arith.index_cast %scan3A_84 : i32 to index
        %get3A_280 = arith.constant 80 : index
        %get3A_281 = tpu.vector_load %arg8[%get3A_278, %get3A_279, %get3A_280] {strides = array<i32>} : memref<3x64x128xf32, #tpu.memory_space<vmem>>, vector<1x1x16xf32>,
        %get3A_282 = vector.shape_cast %get3A_281 : vector<1x1x16xf32> to vector<16xf32>
        %mul3A_283 = arith.mulf %broadcast_in_dim3A, %get3A_282 : vector<16xf32>
        %get3A_284 = arith.constant 1 : i32
        %get3A_285 = arith.index_cast %get3A_284 : i32 to index
        %get3A_286 = arith.index_cast %scan3A_84 : i32 to index
        %get3A_287 = arith.constant 80 : index
        %get3A_288 = tpu.vector_load %arg8[%get3A_285, %get3A_286, %get3A_287] {strides = array<i32>} : memref<3x64x128xf32, #tpu.memory_space<vmem>>, vector<1x1x16xf32>,
        %get3A_289 = vector.shape_cast %get3A_288 : vector<1x1x16xf32> to vector<16xf32>
        %mul3A_290 = arith.mulf %broadcast_in_dim3A_124, %get3A_289 : vector<16xf32>
        %add3A_291 = arith.addf %mul3A_283, %mul3A_290 : vector<16xf32>
        %get3A_292 = arith.constant 2 : i32
        %get3A_293 = arith.index_cast %get3A_292 : i32 to index
        %get3A_294 = arith.index_cast %scan3A_84 : i32 to index
        %get3A_295 = arith.constant 80 : index
        %get3A_296 = tpu.vector_load %arg8[%get3A_293, %get3A_294, %get3A_295] {strides = array<i32>} : memref<3x64x128xf32, #tpu.memory_space<vmem>>, vector<1x1x16xf32>,
        %get3A_297 = vector.shape_cast %get3A_296 : vector<1x1x16xf32> to vector<16xf32>
        %mul3A_298 = arith.mulf %broadcast_in_dim3A_132, %get3A_297 : vector<16xf32>
        %add3A_299 = arith.addf %add3A_291, %mul3A_298 : vector<16xf32>
        %swap3A_300 = arith.index_cast %select_n3A : i32 to index
        %swap3A_301 = arith.index_cast %select_n3A_114 : i32 to index
        %swap3A_302 = arith.constant 80 : index
        %swap3A_303 = tpu.vector_load %arg9[%swap3A_300, %swap3A_301, %swap3A_302] {strides = array<i32>} : memref<4x16x128xf32, #tpu.memory_space<vmem>>, vector<1x1x16xf32>,
        %swap3A_304 = vector.shape_cast %swap3A_303 : vector<1x1x16xf32> to vector<16xf32>
        %swap3A_305 = vector.shape_cast %add3A_299 : vector<16xf32> to vector<1x1x16xf32>
        tpu.vector_store %arg9[%swap3A_300, %swap3A_301, %swap3A_302], %swap3A_305 {strides = array<i32>} : memref<4x16x128xf32, #tpu.memory_space<vmem>>, vector<1x1x16xf32>,
        %get3A_306 = arith.constant 0 : i32
        %get3A_307 = arith.index_cast %get3A_306 : i32 to index
        %get3A_308 = arith.index_cast %scan3A_84 : i32 to index
        %get3A_309 = arith.constant 96 : index
        %get3A_310 = tpu.vector_load %arg8[%get3A_307, %get3A_308, %get3A_309] {strides = array<i32>} : memref<3x64x128xf32, #tpu.memory_space<vmem>>, vector<1x1x16xf32>,
        %get3A_311 = vector.shape_cast %get3A_310 : vector<1x1x16xf32> to vector<16xf32>
        %mul3A_312 = arith.mulf %broadcast_in_dim3A, %get3A_311 : vector<16xf32>
        %get3A_313 = arith.constant 1 : i32
        %get3A_314 = arith.index_cast %get3A_313 : i32 to index
        %get3A_315 = arith.index_cast %scan3A_84 : i32 to index
        %get3A_316 = arith.constant 96 : index
        %get3A_317 = tpu.vector_load %arg8[%get3A_314, %get3A_315, %get3A_316] {strides = array<i32>} : memref<3x64x128xf32, #tpu.memory_space<vmem>>, vector<1x1x16xf32>,
        %get3A_318 = vector.shape_cast %get3A_317 : vector<1x1x16xf32> to vector<16xf32>
        %mul3A_319 = arith.mulf %broadcast_in_dim3A_124, %get3A_318 : vector<16xf32>
        %add3A_320 = arith.addf %mul3A_312, %mul3A_319 : vector<16xf32>
        %get3A_321 = arith.constant 2 : i32
        %get3A_322 = arith.index_cast %get3A_321 : i32 to index
        %get3A_323 = arith.index_cast %scan3A_84 : i32 to index
        %get3A_324 = arith.constant 96 : index
        %get3A_325 = tpu.vector_load %arg8[%get3A_322, %get3A_323, %get3A_324] {strides = array<i32>} : memref<3x64x128xf32, #tpu.memory_space<vmem>>, vector<1x1x16xf32>,
        %get3A_326 = vector.shape_cast %get3A_325 : vector<1x1x16xf32> to vector<16xf32>
        %mul3A_327 = arith.mulf %broadcast_in_dim3A_132, %get3A_326 : vector<16xf32>
        %add3A_328 = arith.addf %add3A_320, %mul3A_327 : vector<16xf32>
        %swap3A_329 = arith.index_cast %select_n3A : i32 to index
        %swap3A_330 = arith.index_cast %select_n3A_114 : i32 to index
        %swap3A_331 = arith.constant 96 : index
        %swap3A_332 = tpu.vector_load %arg9[%swap3A_329, %swap3A_330, %swap3A_331] {strides = array<i32>} : memref<4x16x128xf32, #tpu.memory_space<vmem>>, vector<1x1x16xf32>,
        %swap3A_333 = vector.shape_cast %swap3A_332 : vector<1x1x16xf32> to vector<16xf32>
        %swap3A_334 = vector.shape_cast %add3A_328 : vector<16xf32> to vector<1x1x16xf32>
        tpu.vector_store %arg9[%swap3A_329, %swap3A_330, %swap3A_331], %swap3A_334 {strides = array<i32>} : memref<4x16x128xf32, #tpu.memory_space<vmem>>, vector<1x1x16xf32>,
        %get3A_335 = arith.constant 0 : i32
        %get3A_336 = arith.index_cast %get3A_335 : i32 to index
        %get3A_337 = arith.index_cast %scan3A_84 : i32 to index
        %get3A_338 = arith.constant 112 : index
        %get3A_339 = tpu.vector_load %arg8[%get3A_336, %get3A_337, %get3A_338] {strides = array<i32>} : memref<3x64x128xf32, #tpu.memory_space<vmem>>, vector<1x1x16xf32>,
        %get3A_340 = vector.shape_cast %get3A_339 : vector<1x1x16xf32> to vector<16xf32>
        %mul3A_341 = arith.mulf %broadcast_in_dim3A, %get3A_340 : vector<16xf32>
        %get3A_342 = arith.constant 1 : i32
        %get3A_343 = arith.index_cast %get3A_342 : i32 to index
        %get3A_344 = arith.index_cast %scan3A_84 : i32 to index
        %get3A_345 = arith.constant 112 : index
        %get3A_346 = tpu.vector_load %arg8[%get3A_343, %get3A_344, %get3A_345] {strides = array<i32>} : memref<3x64x128xf32, #tpu.memory_space<vmem>>, vector<1x1x16xf32>,
        %get3A_347 = vector.shape_cast %get3A_346 : vector<1x1x16xf32> to vector<16xf32>
        %mul3A_348 = arith.mulf %broadcast_in_dim3A_124, %get3A_347 : vector<16xf32>
        %add3A_349 = arith.addf %mul3A_341, %mul3A_348 : vector<16xf32>
        %get3A_350 = arith.constant 2 : i32
        %get3A_351 = arith.index_cast %get3A_350 : i32 to index
        %get3A_352 = arith.index_cast %scan3A_84 : i32 to index
        %get3A_353 = arith.constant 112 : index
        %get3A_354 = tpu.vector_load %arg8[%get3A_351, %get3A_352, %get3A_353] {strides = array<i32>} : memref<3x64x128xf32, #tpu.memory_space<vmem>>, vector<1x1x16xf32>,
        %get3A_355 = vector.shape_cast %get3A_354 : vector<1x1x16xf32> to vector<16xf32>
        %mul3A_356 = arith.mulf %broadcast_in_dim3A_132, %get3A_355 : vector<16xf32>
        %add3A_357 = arith.addf %add3A_349, %mul3A_356 : vector<16xf32>
        %swap3A_358 = arith.index_cast %select_n3A : i32 to index
        %swap3A_359 = arith.index_cast %select_n3A_114 : i32 to index
        %swap3A_360 = arith.constant 112 : index
        %swap3A_361 = tpu.vector_load %arg9[%swap3A_358, %swap3A_359, %swap3A_360] {strides = array<i32>} : memref<4x16x128xf32, #tpu.memory_space<vmem>>, vector<1x1x16xf32>,
        %swap3A_362 = vector.shape_cast %swap3A_361 : vector<1x1x16xf32> to vector<16xf32>
        %swap3A_363 = vector.shape_cast %add3A_357 : vector<16xf32> to vector<1x1x16xf32>
        tpu.vector_store %arg9[%swap3A_358, %swap3A_359, %swap3A_360], %swap3A_363 {strides = array<i32>} : memref<4x16x128xf32, #tpu.memory_space<vmem>>, vector<1x1x16xf32>,
      }
      %scan3A_81 = arith.constant 64 : i32
      %mul3A_82 = arith.constant 4 : i32
      %mul3A_83 = arith.muli %add3A_9, %mul3A_82 : i32
      "tpu.region"() ({
        %run_scoped3A = tpu.sem_alloc : memref<!tpu.dma_semaphore, #tpu.memory_space<semaphore_mem>>
        %dma_start3A_84 = arith.constant 0 : i32
        %dma_start3A_85 = arith.constant 0 : i32
        %dma_start3A_86 = tpu.memref_slice %arg5[%mul3A_83, %dma_start3A_84, %dma_start3A_85] : memref<10240x16x128xf32, #tpu.memory_space<hbm>> -> memref<4x16x128xf32, #tpu.memory_space<hbm>>
        %dma_start3A_87 = arith.constant 0 : i32
        %dma_start3A_88 = arith.constant 0 : i32
        %dma_start3A_89 = tpu.memref_slice %arg5[%mul3A_83, %dma_start3A_87, %dma_start3A_88] : memref<10240x16x128xf32, #tpu.memory_space<hbm>> -> memref<4x16x128xf32, #tpu.memory_space<hbm>>
        tpu.enqueue_dma source(%arg9 : memref<4x16x128xf32, #tpu.memory_space<vmem>>) target(%dma_start3A_89 : memref<4x16x128xf32, #tpu.memory_space<hbm>>) target_semaphore(%run_scoped3A : memref<!tpu.dma_semaphore, #tpu.memory_space<semaphore_mem>>)
        %dma_wait3A_90 = arith.constant 0 : i32
        %dma_wait3A_91 = arith.constant 0 : i32
        %dma_wait3A_92 = tpu.memref_slice %arg5[%mul3A_83, %dma_wait3A_90, %dma_wait3A_91] : memref<10240x16x128xf32, #tpu.memory_space<hbm>> -> memref<4x16x128xf32, #tpu.memory_space<hbm>>
        %dma_wait3A_93 = arith.constant 0 : i32
        %dma_wait3A_94 = arith.constant 0 : i32
        %dma_wait3A_95 = tpu.memref_slice %arg5[%mul3A_83, %dma_wait3A_93, %dma_wait3A_94] : memref<10240x16x128xf32, #tpu.memory_space<hbm>> -> memref<4x16x128xf32, #tpu.memory_space<hbm>>
        tpu.wait_dma2 semaphore(%run_scoped3A : memref<!tpu.dma_semaphore, #tpu.memory_space<semaphore_mem>>) src(%arg9 : memref<4x16x128xf32, #tpu.memory_space<vmem>>) dst(%dma_wait3A_95 : memref<4x16x128xf32, #tpu.memory_space<hbm>>)
        tpu.yield
      }) : () -> ()
    }
    %scan3A_5 = arith.constant 80 : i32
    return
  }
}

module attributes {stable_mosaic.version = 14 : i64} {
  func.func @_tc_body(%arg0: i32, %arg1: memref<512x16x128xf32, #tpu.memory_space<vmem>>, %arg2: memref<16x128x512xf32, #tpu.memory_space<vmem>>, %arg3: memref<512x128xf32, #tpu.memory_space<vmem>>) attributes {dimension_semantics = [#tpu.dimension_semantics<arbitrary>], iteration_bounds = array<i64: 20>, scalar_prefetch = 0 : i64, scratch_operands = 0 : i64, tpu.core_type = #tpu.core_type<tc>, window_params = [{transform_indices = @transform_0, window_bounds = array<i64: 512, 16, 128>}, {pipeline_mode = #tpu.pipeline_mode<synchronous>, transform_indices = @transform_1, window_bounds = array<i64: 16, 128, 512>}, {transform_indices = @transform_2, window_bounds = array<i64: 512, 128>}]} {
    %broadcast_in_dim3A = arith.constant 0.000000e+00 : f32
    %broadcast_in_dim3A_0 = vector.broadcast %broadcast_in_dim3A : f32 to vector<512x512xf32>
    %get3A = arith.constant 0 : index
    %get3A_1 = arith.constant 0 : index
    %get3A_2 = arith.constant 0 : index
    %get3A_3 = vector.load %arg1[%get3A, %get3A_1, %get3A_2] : memref<512x16x128xf32, #tpu.memory_space<vmem>>, vector<512x1x128xf32>
    %get3A_4 = vector.shape_cast %get3A_3 : vector<512x1x128xf32> to vector<512x128xf32>
    %get3A_5 = arith.constant 0 : index
    %get3A_6 = arith.constant 0 : index
    %get3A_7 = arith.constant 0 : index
    %get3A_8 = vector.load %arg2[%get3A_5, %get3A_6, %get3A_7] : memref<16x128x512xf32, #tpu.memory_space<vmem>>, vector<1x128x512xf32>
    %get3A_9 = vector.shape_cast %get3A_8 : vector<1x128x512xf32> to vector<128x512xf32>
    %dot_general3A = arith.constant dense<0.000000e+00> : vector<512x512xf32>
    %dot_general3A_10 = tpu.matmul %get3A_4, %get3A_9, %dot_general3A {dimension_numbers = #tpu.dot_dimension_numbers<[1], [0], [0], [1], [0, 0, 1, 1], [], []>, transpose_lhs_hint = false} : vector<512x128xf32>, vector<128x512xf32>, vector<512x512xf32> -> vector<512x512xf32>
    %add3A = arith.addf %broadcast_in_dim3A_0, %dot_general3A_10 : vector<512x512xf32>
    %get3A_11 = arith.constant 0 : index
    %get3A_12 = arith.constant 1 : index
    %get3A_13 = arith.constant 0 : index
    %get3A_14 = vector.load %arg1[%get3A_11, %get3A_12, %get3A_13] : memref<512x16x128xf32, #tpu.memory_space<vmem>>, vector<512x1x128xf32>
    %get3A_15 = vector.shape_cast %get3A_14 : vector<512x1x128xf32> to vector<512x128xf32>
    %get3A_16 = arith.constant 1 : index
    %get3A_17 = arith.constant 0 : index
    %get3A_18 = arith.constant 0 : index
    %get3A_19 = vector.load %arg2[%get3A_16, %get3A_17, %get3A_18] : memref<16x128x512xf32, #tpu.memory_space<vmem>>, vector<1x128x512xf32>
    %get3A_20 = vector.shape_cast %get3A_19 : vector<1x128x512xf32> to vector<128x512xf32>
    %dot_general3A_21 = arith.constant dense<0.000000e+00> : vector<512x512xf32>
    %dot_general3A_22 = tpu.matmul %get3A_15, %get3A_20, %dot_general3A_21 {dimension_numbers = #tpu.dot_dimension_numbers<[1], [0], [0], [1], [0, 0, 1, 1], [], []>, transpose_lhs_hint = false} : vector<512x128xf32>, vector<128x512xf32>, vector<512x512xf32> -> vector<512x512xf32>
    %add3A_23 = arith.addf %add3A, %dot_general3A_22 : vector<512x512xf32>
    %get3A_24 = arith.constant 0 : index
    %get3A_25 = arith.constant 2 : index
    %get3A_26 = arith.constant 0 : index
    %get3A_27 = vector.load %arg1[%get3A_24, %get3A_25, %get3A_26] : memref<512x16x128xf32, #tpu.memory_space<vmem>>, vector<512x1x128xf32>
    %get3A_28 = vector.shape_cast %get3A_27 : vector<512x1x128xf32> to vector<512x128xf32>
    %get3A_29 = arith.constant 2 : index
    %get3A_30 = arith.constant 0 : index
    %get3A_31 = arith.constant 0 : index
    %get3A_32 = vector.load %arg2[%get3A_29, %get3A_30, %get3A_31] : memref<16x128x512xf32, #tpu.memory_space<vmem>>, vector<1x128x512xf32>
    %get3A_33 = vector.shape_cast %get3A_32 : vector<1x128x512xf32> to vector<128x512xf32>
    %dot_general3A_34 = arith.constant dense<0.000000e+00> : vector<512x512xf32>
    %dot_general3A_35 = tpu.matmul %get3A_28, %get3A_33, %dot_general3A_34 {dimension_numbers = #tpu.dot_dimension_numbers<[1], [0], [0], [1], [0, 0, 1, 1], [], []>, transpose_lhs_hint = false} : vector<512x128xf32>, vector<128x512xf32>, vector<512x512xf32> -> vector<512x512xf32>
    %add3A_36 = arith.addf %add3A_23, %dot_general3A_35 : vector<512x512xf32>
    %get3A_37 = arith.constant 0 : index
    %get3A_38 = arith.constant 3 : index
    %get3A_39 = arith.constant 0 : index
    %get3A_40 = vector.load %arg1[%get3A_37, %get3A_38, %get3A_39] : memref<512x16x128xf32, #tpu.memory_space<vmem>>, vector<512x1x128xf32>
    %get3A_41 = vector.shape_cast %get3A_40 : vector<512x1x128xf32> to vector<512x128xf32>
    %get3A_42 = arith.constant 3 : index
    %get3A_43 = arith.constant 0 : index
    %get3A_44 = arith.constant 0 : index
    %get3A_45 = vector.load %arg2[%get3A_42, %get3A_43, %get3A_44] : memref<16x128x512xf32, #tpu.memory_space<vmem>>, vector<1x128x512xf32>
    %get3A_46 = vector.shape_cast %get3A_45 : vector<1x128x512xf32> to vector<128x512xf32>
    %dot_general3A_47 = arith.constant dense<0.000000e+00> : vector<512x512xf32>
    %dot_general3A_48 = tpu.matmul %get3A_41, %get3A_46, %dot_general3A_47 {dimension_numbers = #tpu.dot_dimension_numbers<[1], [0], [0], [1], [0, 0, 1, 1], [], []>, transpose_lhs_hint = false} : vector<512x128xf32>, vector<128x512xf32>, vector<512x512xf32> -> vector<512x512xf32>
    %add3A_49 = arith.addf %add3A_36, %dot_general3A_48 : vector<512x512xf32>
    %get3A_50 = arith.constant 0 : index
    %get3A_51 = arith.constant 4 : index
    %get3A_52 = arith.constant 0 : index
    %get3A_53 = vector.load %arg1[%get3A_50, %get3A_51, %get3A_52] : memref<512x16x128xf32, #tpu.memory_space<vmem>>, vector<512x1x128xf32>
    %get3A_54 = vector.shape_cast %get3A_53 : vector<512x1x128xf32> to vector<512x128xf32>
    %get3A_55 = arith.constant 4 : index
    %get3A_56 = arith.constant 0 : index
    %get3A_57 = arith.constant 0 : index
    %get3A_58 = vector.load %arg2[%get3A_55, %get3A_56, %get3A_57] : memref<16x128x512xf32, #tpu.memory_space<vmem>>, vector<1x128x512xf32>
    %get3A_59 = vector.shape_cast %get3A_58 : vector<1x128x512xf32> to vector<128x512xf32>
    %dot_general3A_60 = arith.constant dense<0.000000e+00> : vector<512x512xf32>
    %dot_general3A_61 = tpu.matmul %get3A_54, %get3A_59, %dot_general3A_60 {dimension_numbers = #tpu.dot_dimension_numbers<[1], [0], [0], [1], [0, 0, 1, 1], [], []>, transpose_lhs_hint = false} : vector<512x128xf32>, vector<128x512xf32>, vector<512x512xf32> -> vector<512x512xf32>
    %add3A_62 = arith.addf %add3A_49, %dot_general3A_61 : vector<512x512xf32>
    %get3A_63 = arith.constant 0 : index
    %get3A_64 = arith.constant 5 : index
    %get3A_65 = arith.constant 0 : index
    %get3A_66 = vector.load %arg1[%get3A_63, %get3A_64, %get3A_65] : memref<512x16x128xf32, #tpu.memory_space<vmem>>, vector<512x1x128xf32>
    %get3A_67 = vector.shape_cast %get3A_66 : vector<512x1x128xf32> to vector<512x128xf32>
    %get3A_68 = arith.constant 5 : index
    %get3A_69 = arith.constant 0 : index
    %get3A_70 = arith.constant 0 : index
    %get3A_71 = vector.load %arg2[%get3A_68, %get3A_69, %get3A_70] : memref<16x128x512xf32, #tpu.memory_space<vmem>>, vector<1x128x512xf32>
    %get3A_72 = vector.shape_cast %get3A_71 : vector<1x128x512xf32> to vector<128x512xf32>
    %dot_general3A_73 = arith.constant dense<0.000000e+00> : vector<512x512xf32>
    %dot_general3A_74 = tpu.matmul %get3A_67, %get3A_72, %dot_general3A_73 {dimension_numbers = #tpu.dot_dimension_numbers<[1], [0], [0], [1], [0, 0, 1, 1], [], []>, transpose_lhs_hint = false} : vector<512x128xf32>, vector<128x512xf32>, vector<512x512xf32> -> vector<512x512xf32>
    %add3A_75 = arith.addf %add3A_62, %dot_general3A_74 : vector<512x512xf32>
    %get3A_76 = arith.constant 0 : index
    %get3A_77 = arith.constant 6 : index
    %get3A_78 = arith.constant 0 : index
    %get3A_79 = vector.load %arg1[%get3A_76, %get3A_77, %get3A_78] : memref<512x16x128xf32, #tpu.memory_space<vmem>>, vector<512x1x128xf32>
    %get3A_80 = vector.shape_cast %get3A_79 : vector<512x1x128xf32> to vector<512x128xf32>
    %get3A_81 = arith.constant 6 : index
    %get3A_82 = arith.constant 0 : index
    %get3A_83 = arith.constant 0 : index
    %get3A_84 = vector.load %arg2[%get3A_81, %get3A_82, %get3A_83] : memref<16x128x512xf32, #tpu.memory_space<vmem>>, vector<1x128x512xf32>
    %get3A_85 = vector.shape_cast %get3A_84 : vector<1x128x512xf32> to vector<128x512xf32>
    %dot_general3A_86 = arith.constant dense<0.000000e+00> : vector<512x512xf32>
    %dot_general3A_87 = tpu.matmul %get3A_80, %get3A_85, %dot_general3A_86 {dimension_numbers = #tpu.dot_dimension_numbers<[1], [0], [0], [1], [0, 0, 1, 1], [], []>, transpose_lhs_hint = false} : vector<512x128xf32>, vector<128x512xf32>, vector<512x512xf32> -> vector<512x512xf32>
    %add3A_88 = arith.addf %add3A_75, %dot_general3A_87 : vector<512x512xf32>
    %get3A_89 = arith.constant 0 : index
    %get3A_90 = arith.constant 7 : index
    %get3A_91 = arith.constant 0 : index
    %get3A_92 = vector.load %arg1[%get3A_89, %get3A_90, %get3A_91] : memref<512x16x128xf32, #tpu.memory_space<vmem>>, vector<512x1x128xf32>
    %get3A_93 = vector.shape_cast %get3A_92 : vector<512x1x128xf32> to vector<512x128xf32>
    %get3A_94 = arith.constant 7 : index
    %get3A_95 = arith.constant 0 : index
    %get3A_96 = arith.constant 0 : index
    %get3A_97 = vector.load %arg2[%get3A_94, %get3A_95, %get3A_96] : memref<16x128x512xf32, #tpu.memory_space<vmem>>, vector<1x128x512xf32>
    %get3A_98 = vector.shape_cast %get3A_97 : vector<1x128x512xf32> to vector<128x512xf32>
    %dot_general3A_99 = arith.constant dense<0.000000e+00> : vector<512x512xf32>
    %dot_general3A_100 = tpu.matmul %get3A_93, %get3A_98, %dot_general3A_99 {dimension_numbers = #tpu.dot_dimension_numbers<[1], [0], [0], [1], [0, 0, 1, 1], [], []>, transpose_lhs_hint = false} : vector<512x128xf32>, vector<128x512xf32>, vector<512x512xf32> -> vector<512x512xf32>
    %add3A_101 = arith.addf %add3A_88, %dot_general3A_100 : vector<512x512xf32>
    %get3A_102 = arith.constant 0 : index
    %get3A_103 = arith.constant 8 : index
    %get3A_104 = arith.constant 0 : index
    %get3A_105 = vector.load %arg1[%get3A_102, %get3A_103, %get3A_104] : memref<512x16x128xf32, #tpu.memory_space<vmem>>, vector<512x1x128xf32>
    %get3A_106 = vector.shape_cast %get3A_105 : vector<512x1x128xf32> to vector<512x128xf32>
    %get3A_107 = arith.constant 8 : index
    %get3A_108 = arith.constant 0 : index
    %get3A_109 = arith.constant 0 : index
    %get3A_110 = vector.load %arg2[%get3A_107, %get3A_108, %get3A_109] : memref<16x128x512xf32, #tpu.memory_space<vmem>>, vector<1x128x512xf32>
    %get3A_111 = vector.shape_cast %get3A_110 : vector<1x128x512xf32> to vector<128x512xf32>
    %dot_general3A_112 = arith.constant dense<0.000000e+00> : vector<512x512xf32>
    %dot_general3A_113 = tpu.matmul %get3A_106, %get3A_111, %dot_general3A_112 {dimension_numbers = #tpu.dot_dimension_numbers<[1], [0], [0], [1], [0, 0, 1, 1], [], []>, transpose_lhs_hint = false} : vector<512x128xf32>, vector<128x512xf32>, vector<512x512xf32> -> vector<512x512xf32>
    %add3A_114 = arith.addf %add3A_101, %dot_general3A_113 : vector<512x512xf32>
    %get3A_115 = arith.constant 0 : index
    %get3A_116 = arith.constant 9 : index
    %get3A_117 = arith.constant 0 : index
    %get3A_118 = vector.load %arg1[%get3A_115, %get3A_116, %get3A_117] : memref<512x16x128xf32, #tpu.memory_space<vmem>>, vector<512x1x128xf32>
    %get3A_119 = vector.shape_cast %get3A_118 : vector<512x1x128xf32> to vector<512x128xf32>
    %get3A_120 = arith.constant 9 : index
    %get3A_121 = arith.constant 0 : index
    %get3A_122 = arith.constant 0 : index
    %get3A_123 = vector.load %arg2[%get3A_120, %get3A_121, %get3A_122] : memref<16x128x512xf32, #tpu.memory_space<vmem>>, vector<1x128x512xf32>
    %get3A_124 = vector.shape_cast %get3A_123 : vector<1x128x512xf32> to vector<128x512xf32>
    %dot_general3A_125 = arith.constant dense<0.000000e+00> : vector<512x512xf32>
    %dot_general3A_126 = tpu.matmul %get3A_119, %get3A_124, %dot_general3A_125 {dimension_numbers = #tpu.dot_dimension_numbers<[1], [0], [0], [1], [0, 0, 1, 1], [], []>, transpose_lhs_hint = false} : vector<512x128xf32>, vector<128x512xf32>, vector<512x512xf32> -> vector<512x512xf32>
    %add3A_127 = arith.addf %add3A_114, %dot_general3A_126 : vector<512x512xf32>
    %get3A_128 = arith.constant 0 : index
    %get3A_129 = arith.constant 10 : index
    %get3A_130 = arith.constant 0 : index
    %get3A_131 = vector.load %arg1[%get3A_128, %get3A_129, %get3A_130] : memref<512x16x128xf32, #tpu.memory_space<vmem>>, vector<512x1x128xf32>
    %get3A_132 = vector.shape_cast %get3A_131 : vector<512x1x128xf32> to vector<512x128xf32>
    %get3A_133 = arith.constant 10 : index
    %get3A_134 = arith.constant 0 : index
    %get3A_135 = arith.constant 0 : index
    %get3A_136 = vector.load %arg2[%get3A_133, %get3A_134, %get3A_135] : memref<16x128x512xf32, #tpu.memory_space<vmem>>, vector<1x128x512xf32>
    %get3A_137 = vector.shape_cast %get3A_136 : vector<1x128x512xf32> to vector<128x512xf32>
    %dot_general3A_138 = arith.constant dense<0.000000e+00> : vector<512x512xf32>
    %dot_general3A_139 = tpu.matmul %get3A_132, %get3A_137, %dot_general3A_138 {dimension_numbers = #tpu.dot_dimension_numbers<[1], [0], [0], [1], [0, 0, 1, 1], [], []>, transpose_lhs_hint = false} : vector<512x128xf32>, vector<128x512xf32>, vector<512x512xf32> -> vector<512x512xf32>
    %add3A_140 = arith.addf %add3A_127, %dot_general3A_139 : vector<512x512xf32>
    %get3A_141 = arith.constant 0 : index
    %get3A_142 = arith.constant 11 : index
    %get3A_143 = arith.constant 0 : index
    %get3A_144 = vector.load %arg1[%get3A_141, %get3A_142, %get3A_143] : memref<512x16x128xf32, #tpu.memory_space<vmem>>, vector<512x1x128xf32>
    %get3A_145 = vector.shape_cast %get3A_144 : vector<512x1x128xf32> to vector<512x128xf32>
    %get3A_146 = arith.constant 11 : index
    %get3A_147 = arith.constant 0 : index
    %get3A_148 = arith.constant 0 : index
    %get3A_149 = vector.load %arg2[%get3A_146, %get3A_147, %get3A_148] : memref<16x128x512xf32, #tpu.memory_space<vmem>>, vector<1x128x512xf32>
    %get3A_150 = vector.shape_cast %get3A_149 : vector<1x128x512xf32> to vector<128x512xf32>
    %dot_general3A_151 = arith.constant dense<0.000000e+00> : vector<512x512xf32>
    %dot_general3A_152 = tpu.matmul %get3A_145, %get3A_150, %dot_general3A_151 {dimension_numbers = #tpu.dot_dimension_numbers<[1], [0], [0], [1], [0, 0, 1, 1], [], []>, transpose_lhs_hint = false} : vector<512x128xf32>, vector<128x512xf32>, vector<512x512xf32> -> vector<512x512xf32>
    %add3A_153 = arith.addf %add3A_140, %dot_general3A_152 : vector<512x512xf32>
    %get3A_154 = arith.constant 0 : index
    %get3A_155 = arith.constant 12 : index
    %get3A_156 = arith.constant 0 : index
    %get3A_157 = vector.load %arg1[%get3A_154, %get3A_155, %get3A_156] : memref<512x16x128xf32, #tpu.memory_space<vmem>>, vector<512x1x128xf32>
    %get3A_158 = vector.shape_cast %get3A_157 : vector<512x1x128xf32> to vector<512x128xf32>
    %get3A_159 = arith.constant 12 : index
    %get3A_160 = arith.constant 0 : index
    %get3A_161 = arith.constant 0 : index
    %get3A_162 = vector.load %arg2[%get3A_159, %get3A_160, %get3A_161] : memref<16x128x512xf32, #tpu.memory_space<vmem>>, vector<1x128x512xf32>
    %get3A_163 = vector.shape_cast %get3A_162 : vector<1x128x512xf32> to vector<128x512xf32>
    %dot_general3A_164 = arith.constant dense<0.000000e+00> : vector<512x512xf32>
    %dot_general3A_165 = tpu.matmul %get3A_158, %get3A_163, %dot_general3A_164 {dimension_numbers = #tpu.dot_dimension_numbers<[1], [0], [0], [1], [0, 0, 1, 1], [], []>, transpose_lhs_hint = false} : vector<512x128xf32>, vector<128x512xf32>, vector<512x512xf32> -> vector<512x512xf32>
    %add3A_166 = arith.addf %add3A_153, %dot_general3A_165 : vector<512x512xf32>
    %get3A_167 = arith.constant 0 : index
    %get3A_168 = arith.constant 13 : index
    %get3A_169 = arith.constant 0 : index
    %get3A_170 = vector.load %arg1[%get3A_167, %get3A_168, %get3A_169] : memref<512x16x128xf32, #tpu.memory_space<vmem>>, vector<512x1x128xf32>
    %get3A_171 = vector.shape_cast %get3A_170 : vector<512x1x128xf32> to vector<512x128xf32>
    %get3A_172 = arith.constant 13 : index
    %get3A_173 = arith.constant 0 : index
    %get3A_174 = arith.constant 0 : index
    %get3A_175 = vector.load %arg2[%get3A_172, %get3A_173, %get3A_174] : memref<16x128x512xf32, #tpu.memory_space<vmem>>, vector<1x128x512xf32>
    %get3A_176 = vector.shape_cast %get3A_175 : vector<1x128x512xf32> to vector<128x512xf32>
    %dot_general3A_177 = arith.constant dense<0.000000e+00> : vector<512x512xf32>
    %dot_general3A_178 = tpu.matmul %get3A_171, %get3A_176, %dot_general3A_177 {dimension_numbers = #tpu.dot_dimension_numbers<[1], [0], [0], [1], [0, 0, 1, 1], [], []>, transpose_lhs_hint = false} : vector<512x128xf32>, vector<128x512xf32>, vector<512x512xf32> -> vector<512x512xf32>
    %add3A_179 = arith.addf %add3A_166, %dot_general3A_178 : vector<512x512xf32>
    %get3A_180 = arith.constant 0 : index
    %get3A_181 = arith.constant 14 : index
    %get3A_182 = arith.constant 0 : index
    %get3A_183 = vector.load %arg1[%get3A_180, %get3A_181, %get3A_182] : memref<512x16x128xf32, #tpu.memory_space<vmem>>, vector<512x1x128xf32>
    %get3A_184 = vector.shape_cast %get3A_183 : vector<512x1x128xf32> to vector<512x128xf32>
    %get3A_185 = arith.constant 14 : index
    %get3A_186 = arith.constant 0 : index
    %get3A_187 = arith.constant 0 : index
    %get3A_188 = vector.load %arg2[%get3A_185, %get3A_186, %get3A_187] : memref<16x128x512xf32, #tpu.memory_space<vmem>>, vector<1x128x512xf32>
    %get3A_189 = vector.shape_cast %get3A_188 : vector<1x128x512xf32> to vector<128x512xf32>
    %dot_general3A_190 = arith.constant dense<0.000000e+00> : vector<512x512xf32>
    %dot_general3A_191 = tpu.matmul %get3A_184, %get3A_189, %dot_general3A_190 {dimension_numbers = #tpu.dot_dimension_numbers<[1], [0], [0], [1], [0, 0, 1, 1], [], []>, transpose_lhs_hint = false} : vector<512x128xf32>, vector<128x512xf32>, vector<512x512xf32> -> vector<512x512xf32>
    %add3A_192 = arith.addf %add3A_179, %dot_general3A_191 : vector<512x512xf32>
    %get3A_193 = arith.constant 0 : index
    %get3A_194 = arith.constant 15 : index
    %get3A_195 = arith.constant 0 : index
    %get3A_196 = vector.load %arg1[%get3A_193, %get3A_194, %get3A_195] : memref<512x16x128xf32, #tpu.memory_space<vmem>>, vector<512x1x128xf32>
    %get3A_197 = vector.shape_cast %get3A_196 : vector<512x1x128xf32> to vector<512x128xf32>
    %get3A_198 = arith.constant 15 : index
    %get3A_199 = arith.constant 0 : index
    %get3A_200 = arith.constant 0 : index
    %get3A_201 = vector.load %arg2[%get3A_198, %get3A_199, %get3A_200] : memref<16x128x512xf32, #tpu.memory_space<vmem>>, vector<1x128x512xf32>
    %get3A_202 = vector.shape_cast %get3A_201 : vector<1x128x512xf32> to vector<128x512xf32>
    %dot_general3A_203 = arith.constant dense<0.000000e+00> : vector<512x512xf32>
    %dot_general3A_204 = tpu.matmul %get3A_197, %get3A_202, %dot_general3A_203 {dimension_numbers = #tpu.dot_dimension_numbers<[1], [0], [0], [1], [0, 0, 1, 1], [], []>, transpose_lhs_hint = false} : vector<512x128xf32>, vector<128x512xf32>, vector<512x512xf32> -> vector<512x512xf32>
    %add3A_205 = arith.addf %add3A_192, %dot_general3A_204 : vector<512x512xf32>
    %max3A = arith.constant 0.000000e+00 : f32
    %max3A_206 = vector.broadcast %max3A : f32 to vector<512x512xf32>
    %max3A_207 = arith.maximumf %add3A_205, %max3A_206 : vector<512x512xf32>
    %slice3A = vector.extract_strided_slice %max3A_207 {offsets = [0, 0], sizes = [512, 128], strides = [1, 1]} : vector<512x512xf32> to vector<512x128xf32>
    %mul3A = arith.mulf %slice3A, %slice3A : vector<512x128xf32>
    %reduce_sum3A = arith.constant dense<0.000000e+00> : vector<512xf32>
    %reduce_sum3A_208 = vector.multi_reduction <add>, %mul3A, %reduce_sum3A [1] : vector<512x128xf32> to vector<512xf32>
    %broadcast_in_dim3A_209 = vector.shape_cast %reduce_sum3A_208 : vector<512xf32> to vector<512x1xf32>
    %slice3A_210 = vector.extract_strided_slice %max3A_207 {offsets = [0, 128], sizes = [512, 128], strides = [1, 1]} : vector<512x512xf32> to vector<512x128xf32>
    %mul3A_211 = arith.mulf %slice3A_210, %slice3A_210 : vector<512x128xf32>
    %reduce_sum3A_212 = arith.constant dense<0.000000e+00> : vector<512xf32>
    %reduce_sum3A_213 = vector.multi_reduction <add>, %mul3A_211, %reduce_sum3A_212 [1] : vector<512x128xf32> to vector<512xf32>
    %broadcast_in_dim3A_214 = vector.shape_cast %reduce_sum3A_213 : vector<512xf32> to vector<512x1xf32>
    %gt3A = arith.cmpf ogt, %broadcast_in_dim3A_214, %broadcast_in_dim3A_209 : vector<512x1xf32>
    %broadcast_in_dim3A_215 = vector.shape_cast %gt3A : vector<512x1xi1> to vector<512x1xi1>
    %broadcast_in_dim3A_216 = vector.broadcast %broadcast_in_dim3A_215 : vector<512x1xi1> to vector<512x128xi1>
    %select_n3A = arith.select %broadcast_in_dim3A_216, %slice3A_210, %slice3A : vector<512x128xi1>, vector<512x128xf32>
    %select_n3A_217 = arith.select %gt3A, %broadcast_in_dim3A_214, %broadcast_in_dim3A_209 : vector<512x1xi1>, vector<512x1xf32>
    %slice3A_218 = vector.extract_strided_slice %max3A_207 {offsets = [0, 256], sizes = [512, 128], strides = [1, 1]} : vector<512x512xf32> to vector<512x128xf32>
    %mul3A_219 = arith.mulf %slice3A_218, %slice3A_218 : vector<512x128xf32>
    %reduce_sum3A_220 = arith.constant dense<0.000000e+00> : vector<512xf32>
    %reduce_sum3A_221 = vector.multi_reduction <add>, %mul3A_219, %reduce_sum3A_220 [1] : vector<512x128xf32> to vector<512xf32>
    %broadcast_in_dim3A_222 = vector.shape_cast %reduce_sum3A_221 : vector<512xf32> to vector<512x1xf32>
    %gt3A_223 = arith.cmpf ogt, %broadcast_in_dim3A_222, %select_n3A_217 : vector<512x1xf32>
    %broadcast_in_dim3A_224 = vector.shape_cast %gt3A_223 : vector<512x1xi1> to vector<512x1xi1>
    %broadcast_in_dim3A_225 = vector.broadcast %broadcast_in_dim3A_224 : vector<512x1xi1> to vector<512x128xi1>
    %select_n3A_226 = arith.select %broadcast_in_dim3A_225, %slice3A_218, %select_n3A : vector<512x128xi1>, vector<512x128xf32>
    %select_n3A_227 = arith.select %gt3A_223, %broadcast_in_dim3A_222, %select_n3A_217 : vector<512x1xi1>, vector<512x1xf32>
    %slice3A_228 = vector.extract_strided_slice %max3A_207 {offsets = [0, 384], sizes = [512, 128], strides = [1, 1]} : vector<512x512xf32> to vector<512x128xf32>
    %mul3A_229 = arith.mulf %slice3A_228, %slice3A_228 : vector<512x128xf32>
    %reduce_sum3A_230 = arith.constant dense<0.000000e+00> : vector<512xf32>
    %reduce_sum3A_231 = vector.multi_reduction <add>, %mul3A_229, %reduce_sum3A_230 [1] : vector<512x128xf32> to vector<512xf32>
    %broadcast_in_dim3A_232 = vector.shape_cast %reduce_sum3A_231 : vector<512xf32> to vector<512x1xf32>
    %gt3A_233 = arith.cmpf ogt, %broadcast_in_dim3A_232, %select_n3A_227 : vector<512x1xf32>
    %broadcast_in_dim3A_234 = vector.shape_cast %gt3A_233 : vector<512x1xi1> to vector<512x1xi1>
    %broadcast_in_dim3A_235 = vector.broadcast %broadcast_in_dim3A_234 : vector<512x1xi1> to vector<512x128xi1>
    %select_n3A_236 = arith.select %broadcast_in_dim3A_235, %slice3A_228, %select_n3A_226 : vector<512x128xi1>, vector<512x128xf32>
    %swap3A = arith.constant 0 : index
    %swap3A_237 = arith.constant 0 : index
    %swap3A_238 = vector.load %arg3[%swap3A, %swap3A_237] : memref<512x128xf32, #tpu.memory_space<vmem>>, vector<512x128xf32>
    tpu.vector_store %arg3[%swap3A, %swap3A_237], %select_n3A_236 {strides = array<i32>} : memref<512x128xf32, #tpu.memory_space<vmem>>, vector<512x128xf32>,
    return
  }
  func.func @transform_0(%arg0: i32) -> (i32, i32, i32) {
    %c0_i32 = arith.constant 0 : i32
    %c0_i32_0 = arith.constant 0 : i32
    %c0_i32_1 = arith.constant 0 : i32
    return %arg0, %c0_i32, %c0_i32_0 : i32, i32, i32
  }
  func.func @transform_1(%arg0: i32) -> (i32, i32, i32) {
    %c0_i32 = arith.constant 0 : i32
    %c0_i32_0 = arith.constant 0 : i32
    %c0_i32_1 = arith.constant 0 : i32
    %c0_i32_2 = arith.constant 0 : i32
    return %c0_i32, %c0_i32_0, %c0_i32_1 : i32, i32, i32
  }
  func.func @transform_2(%arg0: i32) -> (i32, i32) {
    %c0_i32 = arith.constant 0 : i32
    %c0_i32_0 = arith.constant 0 : i32
    return %arg0, %c0_i32 : i32, i32
  }
}

</mosaic_0001>

<sc_bundles>
// kernel: kernel.5.cloned.1.call-start
scs
__scs_entry_jumppad:
0x0: {  	(pc) =	sbr.rel $0x88, $3  }
0x1: {  	(tag) =	ssettag $0x0;
	lr =	simm.s32 $0x1  }
0x2: {  	[smem:$0x3F9E] =	sst lr;
	_ =	strace $0xD0000000  }
0x3: {  	_ = 	snop  }
0x4: {  	_ = 	snop  }
0x5: {  	_ = 	snop  }
0x6: {  	_ = 	snop  }
0x7: {  	_ = 	snop  }
__scs_overlays_trampoline_lowered:
0x8: {  	[smem:$0x3FAD] =	sst s0  }
0x9: {  	[smem:$0x3FAE] =	sst s1  }
0xa: {  	[smem:$0x3FAF] =	sst s2  }
0xb: {  	[smem:$0x3FB0] =	sst s3  }
0xc: {  	[smem:$0x3FB1] =	sst s4  }
0xd: {  	[smem:$0x3FB2] =	sst s5  }
0xe: {  	[smem:$0x3FB3] =	sst s6  }
0xf: {  	[smem:$0x3FB4] =	sst s7  }
0x10: {  	[smem:$0x3FB5] =	sst s8  }
0x11: {  	[smem:$0x3FB6] =	sst s9;
	s0 =	simm.s32 @!p0 $0x0  }
0x12: {  	s1 =	sld [smem:$0x3F9C];
	s0 =	simm.s32 @p0 $0x1  }
0x13: {  	[smem:$0x3FB7] =	sst s0;
	s0 =	simm.s32 @!p1 $0x0  }
0x14: {  	s2 =	sld [smem:$0x3F9B];
	s0 =	simm.s32 @p1 $0x1  }
0x15: {  	[smem:$0x3FB8] =	sst s0;
	s0 =	simm.s32 @!p2 $0x0  }
0x16: {  	s3 =	sld [smem:$0x3FDB];
	s0 =	simm.s32 @p2 $0x1  }
0x17: {  	s4 =	simm.s32 $0x1BF5;
	[smem:$0x3FBA] =	sst s0  }
0x18: {  	s0 =	sld [smem:$0x3F9D];
	_ =	swait.ge [sflag:s4], $0x0  }
0x19: {  	s7 =	sld [smem:$0x3F9E]  }
0x1a: {  	s8 =	sadd.s32 $0xFFFFE003, lr  }
0x1b: {  	s9 =	sadd.s32 $0xFFFFFEF7, lr;
	s5 =	simm.s32 $0xFFFFFFFF;
	p2 =	slt.u32 s8, $0xFFFFF086  }
0x1c: {  	p1 =	slt.u32 s9, $0xF7A;
	s5 =	simm.s32 @!p2 $0x0  }
0x1d: {  	s5 =	simm.s32 @p1 $0x1;
	p0 =	seq.s32 s7, s2  }
0x1e: {  	s7 =	smul.u32 @!p0 $0xF7A, s2;
	p2 =	seq.s32 @!p0 s5, $0x0  }
0x1f: {  	s9 =	smul.u32 $0xF7A, s1;
	s8 =	simm.s32 @!p0 $0x1BF5;
	p2 =	por !p2, p0  }
0x20: {  	[sflag:s8] =	ssyncset.s32 @!p0 $0xFFFFF086;
	s6 =	sadd.s32 @!p0 s3, s7;
	s7 =	simm.s32 @!p0 $0x108  }
0x21: {  	s3 =	sadd.s32 s3, s9;
	s6 =	sadd.s32 @!p0 $0x88, s6;
	s7 =	simm.s32 @p2 $0x1082  }
0x22: {  	[simem:s7], [sflag:s8] =	dma.local @!p0 [hbm:s6], $0xF7A  }
0x23: {  	s9 =	sor.u32 $0xD0000000, s2;
	s6 =	simm.s32 $0x108;
	_ =	swait.ge @!p0 [sflag:s8], $0x0  }
0x24: {  	s3 =	sadd.s32 $0x88, s3;
	s6 =	simm.s32 @!p1 $0x1082;
	[sflag:s4] =	ssyncset.s32 $0xFFFFF086  }
0x25: {  	[simem:s6], [sflag:s4] =	dma.local [hbm:s3], $0xF7A  }
0x26: {  	[smem:$0x3F9E] =	sst s1;
	(tag) =	ssettag s2;
	_ =	strace s9  }
0x27: {  	s1 =	sld [smem:$0x3FAE]  }
0x28: {  	s2 =	sld [smem:$0x3FAF]  }
0x29: {  	s4 =	sld [smem:$0x3FB1]  }
0x2a: {  	p0 =	seq.s32 s5, $0x0;
	s5 =	sld [smem:$0x3FB2]  }
0x2b: {  	s6 =	sld [smem:$0x3FB3]  }
0x2c: {  	s7 =	sld [smem:$0x3FB4]  }
0x2d: {  	s3 =	simm.s32 $0x108;
	s8 =	sld [smem:$0x3FB5]  }
0x2e: {  	s3 =	simm.s32 @!p0 $0x1082;
	s9 =	sld [smem:$0x3FB6]  }
0x2f: {  	lr =	sadd.s32 s0, s3;
	s0 =	sld [smem:$0x3FAD]  }
0x30: {  	s3 =	sld [smem:$0x3FB0]  }
0x31: {  	[smem:$0x3FB9] =	sst s10  }
0x32: {  	s10 =	sld [smem:$0x3FB7];
	_ =	sdelay $0x3  }
0x33: {  	p0 =	seq.s32 s10, $0x1;
	s10 =	sld [smem:$0x3FB9];
	_ =	sdelay $0x3  }
0x34: {  	[smem:$0x3FB9] =	sst s10  }
0x35: {  	s10 =	sld [smem:$0x3FB8];
	_ =	sdelay $0x3  }
0x36: {  	p1 =	seq.s32 s10, $0x1;
	s10 =	sld [smem:$0x3FB9];
	_ =	sdelay $0x3  }
0x37: {  	[smem:$0x3FB9] =	sst s10  }
0x38: {  	s10 =	sld [smem:$0x3FBA]  }
0x39: {  	_ = 	snop;
	(pc) =	sbr.ind lr, $3  }
0x3a: {  	_ = 	snop  }
0x3b: {  	_ = 	snop  }
0x3c: {  	p2 =	seq.s32 s10, $0x1;
	s10 =	sld [smem:$0x3FB9]  }
0x3d: {  	_ =	shalt  }
0x3e: {  	_ =	shalt  }
0x3f: {  	_ =	shalt  }
0x40: {  	_ =	shalt  }
0x41: {  	_ =	shalt  }
0x42: {  	_ =	shalt  }
0x43: {  	_ =	shalt  }
0x44: {  	_ =	shalt  }
0x45: {  	_ =	shalt  }
0x46: {  	_ =	shalt  }
0x47: {  	_ =	shalt  }
0x48: {  	_ =	shalt  }
0x49: {  	_ =	shalt  }
0x4a: {  	_ =	shalt  }
0x4b: {  	_ =	shalt  }
0x4c: {  	_ =	shalt  }
0x4d: {  	_ =	shalt  }
0x4e: {  	_ =	shalt  }
0x4f: {  	_ =	shalt  }
0x50: {  	_ =	shalt  }
0x51: {  	_ =	shalt  }
0x52: {  	_ =	shalt  }
0x53: {  	_ =	shalt  }
0x54: {  	_ =	shalt  }
0x55: {  	_ =	shalt  }
0x56: {  	_ =	shalt  }
0x57: {  	_ =	shalt  }
0x58: {  	_ =	shalt  }
0x59: {  	_ =	shalt  }
0x5a: {  	_ =	shalt  }
0x5b: {  	_ =	shalt  }
0x5c: {  	_ =	shalt  }
0x5d: {  	_ =	shalt  }
0x5e: {  	_ =	shalt  }
0x5f: {  	_ =	shalt  }
0x60: {  	_ =	shalt  }
0x61: {  	_ =	shalt  }
0x62: {  	_ =	shalt  }
0x63: {  	_ =	shalt  }
0x64: {  	_ =	shalt  }
0x65: {  	_ =	shalt  }
0x66: {  	_ =	shalt  }
0x67: {  	_ =	shalt  }
0x68: {  	_ =	shalt  }
0x69: {  	_ =	shalt  }
0x6a: {  	_ =	shalt  }
0x6b: {  	_ =	shalt  }
0x6c: {  	_ =	shalt  }
0x6d: {  	_ =	shalt  }
0x6e: {  	_ =	shalt  }
0x6f: {  	_ =	shalt  }
0x70: {  	_ =	shalt  }
0x71: {  	_ =	shalt  }
0x72: {  	_ =	shalt  }
0x73: {  	_ =	shalt  }
0x74: {  	_ =	shalt  }
0x75: {  	_ =	shalt  }
0x76: {  	_ =	shalt  }
0x77: {  	_ =	shalt  }
0x78: {  	_ =	shalt  }
0x79: {  	_ =	shalt  }
0x7a: {  	_ =	shalt  }
0x7b: {  	_ =	shalt  }
0x7c: {  	_ =	shalt  }
0x7d: {  	_ =	shalt  }
0x7e: {  	_ =	shalt  }
0x7f: {  	_ =	shalt  }
0x80: {  	_ =	shalt  }
0x81: {  	_ =	shalt  }
0x82: {  	_ =	shalt  }
0x83: {  	_ =	shalt  }
0x84: {  	_ =	shalt  }
0x85: {  	_ =	shalt  }
0x86: {  	_ =	shalt  }
0x87: {  	_ =	shalt  }
.Lfunc_end0:
.L_simem_size_0:
called_computation_lowered:
.L_overlay_start_0:
0x88: {  	s2 =	sld [smem:$0x3FD9]  }
0x89: {  	s3 =	sld [smem:$0x3FFE];
	_ =	sdelay $0x1  }
0x8a: {  	s1 =	srdreg.scid  }
0x8b: {  	s0 =	sand.u32 $0x1, s1  }
0x8c: {  	s17 =	sshll.u32 s0, $0xA;
	s2 =	sadd.s32 s3, s2  }
0x8d: {  	s2 =	sadd.s32 s2, s17  }
0x8e: {  	[smem:$0x3FC5] =	sst s2  }
0x8f: {  	_ = 	snop  }
0x90: {  	s2 =	sld [smem:$0x3FC9]  }
0x91: {  	s18 =	sld [smem:$0x3FD0];
	(tm) =	ssettm $0x1  }
0x92: {  	s4 =	sld [smem:$0x3FFB];
	_ =	sdelay $0x3  }
0x93: {  	_ =	strace s4  }
0x94: {  	s4 =	sld [smem:$0x3FFC];
	_ =	sdelay $0x3  }
0x95: {  	_ =	strace s4  }
0x96: {  	s4 =	sld [smem:$0x3FFD];
	_ =	sdelay $0x3  }
0x97: {  	_ =	strace s4  }
0x98: {  	_ =	strace $0x8FFFFFFF  }
0x99: {  	s19 =	sld [smem:$0x3FDB];
	_ =	sdelay $0x1  }
0x9a: {  	s5 =	simm.s32 $_scs_section_size  }
0x9b: {  	s6 =	simm.s32 $_size__tile_overlayer_lowered;
	s7 =	simm.s32 $_tile_overlayer_lowered  }
0x9c: {  	s22 =	simm.s32 $0x1BFF;
	s21 =	sshll.u32 s7, $0x1;
	s4 =	sadd.s32 s5, s19  }
0x9d: {  	s8 =	simm.s32 $0x0;
	s20 =	sshll.u32 s6, $0x1;
	s6 =	sadd.s32 s21, s4  }
0x9e: {  	[timem:s8], [sflag:s22] =	dma.local [hbm:s6], s20  }
0x9f: {  	_ =	swait.ge [sflag:s22], s20  }
0xa0: {  	s5 =	ssub.s32 $0x0, s20;
	[sflag:s22] =	ssyncset.done $0x0  }
0xa1: {  	[sflag:s22] =	ssyncadd.s32 s5;
	_ =	sdelay $0x1  }
0xa2: {  	s23 =	simm.s32 $0x1B8B  }
0xa3: {  	_ =	swait.ge [sflag:s23], $0x1  }
0xa4: {  	[sflag:s23] =	ssyncset.done $0x0  }
0xa5: {  	s25 =	simm.s32 $0x1B8E;
	s24 =	sld [smem:$0x3FFE];
	[sflag:s23] =	ssyncadd.s32 $0xFFFFFFFF  }
0xa6: {  	s26 =	simm.s32 $execute0_lowered;
	[smem:$0x3FD2] =	sst s25  }
0xa7: {  	s6 =	sshll.u32 s26, $0x1;
	_ =	strace $0x80000046;
	[dreg:$0x1] =	wrdreg $0xFFFFFFFF  }
0xa8: {  	s28 =	simm.s32 $_size_execute0_lowered;
	s4 =	sadd.s32 s4, s6;
	[dreg:$0x0] =	wrdreg $0x0  }
0xa9: {  	s6 =	sshll.u32 s28, $0x1;
	[dreg:$0x2] =	wrdreg s4  }
0xaa: {  	[dreg:$0x3] =	wrdreg s6  }
0xab: {  	[dreg:$0x4] =	wrdreg $0xC0  }
0xac: {  	_ =	task [dreg:s8], $0x5FFFF  }
0xad: {  	[dreg:$0x1] =	wrdreg $0xFFFFFFFF  }
0xae: {  	[dreg:$0x0] =	wrdreg $0x60  }
0xaf: {  	[dreg:$0x2] =	wrdreg s2  }
0xb0: {  	[dreg:$0x3] =	wrdreg s18  }
0xb1: {  	[dreg:$0x4] =	wrdreg s24  }
0xb2: {  	[dreg:$0x5] =	wrdreg $0x9  }
0xb3: {  	_ =	task.clear_ibuf [dreg:s8], $0x6FFFF;
	_ =	strace $0x90000046  }
0xb4: {  	s29 =	simm.s32 $0x9;
	_ =	strace $0x80000048  }
0xb5: {  	_ =	swait.ge [sflag:s29], $0x1  }
0xb6: {  	[sflag:s29] =	ssyncadd.s32 $0xFFFFFFFF  }
0xb7: {  	_ =	strace $0x90000048  }
0xb8: {  	_ =	sfence  }
0xb9: {  	s30 =	sld [smem:$0x0];
	_ =	sdelay $0x2  }
0xba: {  	s31 =	sshll.u32 s1, $0xD;
	s1 =	sshrl.u32 s1, $0x2  }
0xbb: {  	s3 =	sand.u32 $0x4000, s31;
	s1 =	sadd.s32 s1, s30  }
0xbc: {  	s0 =	sor.u32 s3, s0;
	s1 =	sshll.u32 s1, $0x11  }
0xbd: {  	s0 =	sor.u32 s1, s0  }
0xbe: {  	s0 =	sadd.s32 $0x8F2B, s0  }
0xbf: {  	[sflag:s0] =	ssyncadd.remote.s32 $0x1  }
0xc0: {  	_ =	sfence.sel $0xFFFF  }
0xc1: {  	[dreg:$0x0] =	wrdreg $0xFFFFFFFF;
	(pc) =	sbr.abs _section_cstart, $3  }
0xc2: {  	[dreg:$0x1] =	wrdreg $0xFFFFFFFF  }
0xc3: {  	_ =	task.clear_ibuf [dreg:s8], $0x2FFFF;
	_ =	strace $0x9FFFFFFF  }
0xc4: {  	(tm) =	ssettm $0x7FFFFFFF  }
0xc5: {  	_ =	shalt  }
tec
execute0_lowered:
.L_overlay_start_1:
0x0: {  	(tag) =	ssettag $0x1  }
0x1: {  	s1 =	rddreg [dreg:$0x0]  }
0x2: {  	s2 =	rddreg [dreg:$0x1]  }
0x3: {  	s6 =	rddreg [dreg:$0x2]  }
0x4: {  	s0 =	rddreg [dreg:$0x3];
	s3 =	simm.s32 $0x0  }
0x5: {  	s4 =	srdreg.scid;
	s11 =	simm.s32 $0x40;
	s12 =	simm.s32 $0x200  }
0x6: {  	s13 =	simm.s32 $0x2200;
	s14 =	simm.s32 $0x80;
	s15 =	simm.s32 $0x4200  }
0x7: {  	s16 =	simm.s32 $0x1;
	s17 =	simm.s32 $0x6200;
	s18 =	simm.s32 $0x0  }
0x8: {  	[smem:$0x7FF] =	sst s3;
	s7 =	sand.u32 $0x1, s4;
	s4 =	stileid.u32  }
0x9: {  	s5 =	sadd.s32 $0x1000, s6;
	s6 =	sadd.s32 $0x10000, s6;
	s8 =	ssub.s32 $0x2, s7  }
0xa: {  	_ =	strace $0x80000047;
	s10 =	sshll.u32 s4, $0x1;
	s9 =	sshrl.u32 s8, $0x1  }
0xb: {  	s7 =	sor.u32 s7, s10;
	s10 =	simm.s32 $0x100;
	s8 =	ssub.s32 s8, s9  }
0xc: {  	s7 =	smul.u32 $0x50, s7;
	s9 =	simm.s32 $0x2;
	s8 =	smax.u32 s8, $0x1  }
.LBB2_1:
0xd: {  	s19 =	simm.s32 $0x0  }
.LBB2_2:
0xe: {  	s20 =	sadd.s32 s7, s19  }
0xf: {  	s21 =	smul.u32 $0x18, s20;
	_ =	sdelay $0x1  }
0x10: {  	s23 =	simm.s32 $0x0;
	s22 =	sadd.s32 s2, s21  }
0x11: {  	[tilespmem:s23], [sflag:$0x2] =	stream.linear.gather [hbm4b:s22+s23], $0xC0, $0x38;
	[tilespmem:$0x8200] =	vst v63  }
0x12: {  	_ =	swait.ge [sflag:s9], $0xC0  }
0x13: {  	[sflag:s9] =	ssyncset.done $0x0  }
0x14: {  	s21 =	sadd.s32 s5, s21;
	[sflag:s9] =	ssyncadd.s32 $0xFFFFFF40  }
0x15: {  	[tilespmem:s10], [sflag:$0x2] =	stream.linear.gather [hbm4b:s21+s23], $0xC0, $0x38;
	[tilespmem:$0x8200] =	vst v63  }
0x16: {  	_ =	swait.ge [sflag:s9], $0xC0  }
0x17: {  	[sflag:s9] =	ssyncset.done $0x0  }
0x18: {  	[sflag:s9] =	ssyncadd.s32 $0xFFFFFF40  }
0x19: {  	[tilespmem:s12], [sflag:$0x1] =	stream.indirect.gather [hbm4b:s1+s11], $0x80, s23, s11, $0xb8;
	[tilespmem:$0x8200] =	vst v63  }
0x1a: {  	_ = 	snop  }
0x1b: {  	[tilespmem:s13], [sflag:$0x1] =	stream.indirect.gather [hbm4b:s1+s11], $0x80, s11, s11, $0xb8;
	[tilespmem:$0x8200] =	vst v63  }
0x1c: {  	_ = 	snop  }
0x1d: {  	[tilespmem:s15], [sflag:$0x1] =	stream.indirect.gather [hbm4b:s1+s11], $0x80, s14, s11, $0xb8;
	[tilespmem:$0x8200] =	vst v63  }
0x1e: {  	_ =	swait.ge [sflag:s16], $0x2000  }
0x1f: {  	[sflag:s16] =	ssyncset.done $0x0  }
0x20: {  	[sflag:s16] =	ssyncadd.s32 $0xFFFFE000  }
0x21: {  	_ =	swait.ge [sflag:s16], $0x2000  }
0x22: {  	[sflag:s16] =	ssyncset.done $0x0  }
0x23: {  	[sflag:s16] =	ssyncadd.s32 $0xFFFFE000  }
0x24: {  	_ =	swait.ge [sflag:s16], $0x2000  }
0x25: {  	[sflag:s16] =	ssyncset.done $0x0  }
0x26: {  	s21 =	simm.s32 $0x0;
	[sflag:s16] =	ssyncadd.s32 $0xFFFFE000  }
0x27: {  	v1 =	vld [tilespmem:s21+$0x4210]  }
0x28: {  	v0 =	vld [tilespmem:s21+$0x4220]  }
0x29: {  	v2 =	vld [tilespmem:s21+$0x4230]  }
0x2a: {  	v5 =	vld [tilespmem:s21+$0x4240]  }
0x2b: {  	v7 =	vld [tilespmem:s21+$0x4250]  }
0x2c: {  	v6 =	vld [tilespmem:s21+$0x4260]  }
0x2d: {  	v10 =	vld [tilespmem:s21+$0x250]  }
0x2e: {  	v8 =	vld [tilespmem:s21+$0x2250]  }
0x2f: {  	v11 =	vld [tilespmem:s21+$0x260]  }
0x30: {  	v9 =	vld [tilespmem:s21+$0x2260]  }
0x31: {  	s22 =	simm.s32 $0x140;
	v12 =	vld [tilespmem:s21+$0x270]  }
0x32: {  	v4 =	vld.msk [tilespmem:s22+$0xFFFFFFC0 ss:$0x0], $0xffff  }
0x33: {  	s23 =	simm.s32 $0x200;
	v3 =	vld.msk [tilespmem:s22+$0x0 ss:$0x0], $0xffff  }
.LBB2_3:
0x34: {  	p0 =	sne.s32 s23, $0x7E00;
	v13 =	vld [tilespmem:s21+$0x2270]  }
0x35: {  	v14 =	vld.msk [tilespmem:s22+$0x40 ss:$0x0], $0xffff  }
0x36: {  	v15 =	vld [tilespmem:s21+$0x4270]  }
0x37: {  	v16 =	vld [tilespmem:s21+$0x240]  }
0x38: {  	v10 =	vmul.f32 v10, v4;
	v11 =	vmul.f32 v11, v4;
	v17 =	vld [tilespmem:s21+$0x2240]  }
0x39: {  	v12 =	vmul.f32 v12, v4;
	v18 =	vld [tilespmem:s21+$0x230];
	v13 =	vmul.f32 v13, v3  }
0x3a: {  	v8 =	vmul.f32 v8, v3;
	v9 =	vmul.f32 v9, v3;
	v19 =	vld [tilespmem:s21+$0x2230]  }
0x3b: {  	v7 =	vmul.f32 v7, v14;
	v20 =	vld [tilespmem:s21+$0x220];
	v12 =	vadd.f32 v13, v12;
	v13 =	vmul.f32 v15, v14  }
0x3c: {  	v8 =	vadd.f32 v8, v10;
	v9 =	vadd.f32 v9, v11;
	v6 =	vmul.f32 v6, v14;
	v15 =	vld [tilespmem:s21+$0x2220]  }
0x3d: {  	v11 =	vmul.f32 v16, v4;
	v10 =	vld [tilespmem:s21+$0x210];
	v16 =	vmul.f32 v17, v3;
	v12 =	vadd.f32 v13, v12  }
0x3e: {  	v5 =	vmul.f32 v5, v14;
	v7 =	vadd.f32 v7, v8;
	v6 =	vadd.f32 v6, v9;
	v13 =	vld [tilespmem:s21+$0x2210]  }
0x3f: {  	v9 =	vmul.f32 v18, v4;
	v8 =	vld [tilespmem:s21+$0x200];
	v17 =	vmul.f32 v19, v3;
	v11 =	vadd.f32 v16, v11;
	[tilespmem:s21+$0x6270] =	vst v12  }
0x40: {  	v2 =	vmul.f32 v2, v14;
	v12 =	vld [tilespmem:s21+$0x2200];
	v16 =	vmul.f32 v20, v4;
	[tilespmem:s21+$0x6250] =	vst v7  }
0x41: {  	s24 =	sshra.s32 s23, $0x2;
	v18 =	vld [tilespmem:s21+$0x4200];
	v7 =	vmul.f32 v15, v3;
	v9 =	vadd.f32 v17, v9;
	v5 =	vadd.f32 v5, v11;
	[tilespmem:s21+$0x6260] =	vst v6  }
0x42: {  	v11 =	vld [tilespmem:s24+$0x4210];
	v6 =	vmul.f32 v10, v4;
	v10 =	vmul.f32 v0, v14  }
0x43: {  	v0 =	vld [tilespmem:s24+$0x4220];
	v13 =	vmul.f32 v13, v3;
	v7 =	vadd.f32 v7, v16;
	v9 =	vadd.f32 v2, v9;
	[tilespmem:s21+$0x6240] =	vst v5  }
0x44: {  	v15 =	vmul.f32 v1, v14;
	v2 =	vld [tilespmem:s24+$0x4230];
	v4 =	vmul.f32 v8, v4  }
0x45: {  	v5 =	vld [tilespmem:s24+$0x4240];
	v3 =	vmul.f32 v12, v3;
	v8 =	vadd.f32 v13, v6;
	v10 =	vadd.f32 v10, v7;
	[tilespmem:s21+$0x6230] =	vst v9  }
0x46: {  	v7 =	vld [tilespmem:s24+$0x4250];
	v9 =	vmul.f32 v18, v14  }
0x47: {  	v6 =	vld [tilespmem:s24+$0x4260];
	v3 =	vadd.f32 v3, v4;
	v4 =	vadd.f32 v15, v8;
	[tilespmem:s21+$0x6220] =	vst v10;
	v1 =	vmov v11  }
0x48: {  	v10 =	vld [tilespmem:s24+$0x250]  }
0x49: {  	v8 =	vld [tilespmem:s24+$0x2250];
	v3 =	vadd.f32 v9, v3;
	[tilespmem:s21+$0x6210] =	vst v4  }
.Ltmp0:
0x4a: {  	v11 =	vld [tilespmem:s24+$0x260];
	(pc) =	sbr.rel @p0 .LBB2_3-.Ltmp0, $4  }
0x4b: {  	v9 =	vld [tilespmem:s24+$0x2260];
	[tilespmem:s21+$0x6200] =	vst v3;
	s21 =	smov.u32 s24  }
0x4c: {  	s22 =	sadd.s32 $0x1, s22;
	v12 =	vld [tilespmem:s21+$0x270]  }
0x4d: {  	v4 =	vld.msk [tilespmem:s22+$0xFFFFFFC0 ss:$0x0], $0xffff  }
0x4e: {  	s23 =	sadd.s32 $0x200, s23;
	v3 =	vld.msk [tilespmem:s22+$0x0 ss:$0x0], $0xffff  }
0x4f: {  	v13 =	vld [tilespmem:s21+$0x2270]  }
0x50: {  	v14 =	vld.msk [tilespmem:s22+$0x40 ss:$0x0], $0xffff  }
0x51: {  	v15 =	vld [tilespmem:s21+$0x4270]  }
0x52: {  	v16 =	vld [tilespmem:s21+$0x240]  }
0x53: {  	v17 =	vld [tilespmem:s21+$0x2240]  }
0x54: {  	v18 =	vld [tilespmem:s21+$0x230]  }
0x55: {  	v19 =	vld [tilespmem:s21+$0x2230]  }
0x56: {  	v20 =	vld [tilespmem:s21+$0x220];
	v12 =	vmul.f32 v12, v4;
	v10 =	vmul.f32 v10, v4  }
0x57: {  	v45 =	vld [tilespmem:s21+$0x2220];
	v11 =	vmul.f32 v11, v4;
	v8 =	vmul.f32 v8, v3  }
0x58: {  	v21 =	vld [tilespmem:s21+$0x210];
	v9 =	vmul.f32 v9, v3;
	v13 =	vmul.f32 v13, v3  }
0x59: {  	v47 =	vld [tilespmem:s21+$0x2210];
	v44 =	vmul.f32 v15, v14;
	v7 =	vmul.f32 v7, v14  }
0x5a: {  	v48 =	vld [tilespmem:s21+$0x200];
	v6 =	vmul.f32 v6, v14;
	v49 =	vmul.f32 v16, v4  }
0x5b: {  	v51 =	vld [tilespmem:s21+$0x2200];
	v50 =	vmul.f32 v17, v3;
	v5 =	vmul.f32 v5, v14  }
0x5c: {  	v52 =	vmul.f32 v18, v4;
	v53 =	vmul.f32 v19, v3  }
0x5d: {  	v56 =	vld [tilespmem:s21+$0x4200];
	v55 =	vmul.f32 v20, v4;
	v15 =	vmul.f32 v45, v3;
	v8 =	vadd.f32 v8, v10  }
0x5e: {  	v57 =	vmul.f32 v21, v4;
	v58 =	vmul.f32 v47, v3;
	v9 =	vadd.f32 v9, v11  }
0x5f: {  	v59 =	vmul.f32 v48, v4;
	v12 =	vadd.f32 v13, v12;
	v7 =	vadd.f32 v7, v8  }
0x60: {  	v60 =	vmul.f32 v51, v3;
	v54 =	vadd.f32 v50, v49;
	v6 =	vadd.f32 v6, v9  }
0x61: {  	v1 =	vmul.f32 v1, v14;
	v61 =	vadd.f32 v58, v57;
	v46 =	vadd.f32 v44, v12;
	[tilespmem:s21+$0x6250] =	vst v7  }
0x62: {  	v62 =	vmul.f32 v56, v14;
	v3 =	vadd.f32 v60, v59;
	v5 =	vadd.f32 v5, v54;
	[tilespmem:s21+$0x6260] =	vst v6  }
0x63: {  	v2 =	vmul.f32 v2, v14;
	v9 =	vadd.f32 v53, v52;
	v1 =	vadd.f32 v1, v61;
	[tilespmem:s21+$0x6270] =	vst v46  }
0x64: {  	v0 =	vmul.f32 v0, v14;
	v8 =	vadd.f32 v15, v55;
	v63 =	vadd.f32 v62, v3;
	[tilespmem:s21+$0x6240] =	vst v5  }
0x65: {  	v2 =	vadd.f32 v2, v9;
	[tilespmem:s21+$0x6210] =	vst v1  }
0x66: {  	s19 =	sadd.s32 $0x1, s19;
	v0 =	vadd.f32 v0, v8;
	[tilespmem:s21+$0x6200] =	vst v63  }
0x67: {  	s20 =	sshll.u32 s20, $0xA;
	p0 =	sne.s32 s19, $0x50;
	[tilespmem:s21+$0x6230] =	vst v2  }
.Ltmp1:
0x68: {  	s20 =	sadd.s32 s6, s20;
	[tilespmem:s21+$0x6220] =	vst v0;
	(pc) =	sbr.rel @p0 .LBB2_2-.Ltmp1, $4  }
0x69: {  	[hbm4b:s20+s3] =	stream.linear.scatter [tilespmem:s17], [sflag:$0x2], $0x2000, $0x38;
	[tilespmem:$0x8200] =	vst v63  }
0x6a: {  	_ =	swait.ge [sflag:s9], $0x2000  }
0x6b: {  	[sflag:s9] =	ssyncset.done $0x0  }
0x6c: {  	[sflag:s9] =	ssyncadd.s32 $0xFFFFE000  }
0x6d: {  	s18 =	sadd.s32 $0x1, s18  }
0x6e: {  	p0 =	sne.s32 s18, s8  }
.Ltmp2:
0x6f: {  	_ = 	snop;
	(pc) =	sbr.rel @p0 .LBB2_1-.Ltmp2, $1  }
0x70: {  	_ =	sdelay $0x3  }
0x71: {  	_ =	sfence.sel $0x180000  }
0x72: {  	[bflag:$0x0] =	sbarrier.arrive $0xFFFF  }
0x73: {  	p0 =	sne.s32 s4, $0x0;
	_ =	strace $0x90000047  }
0x74: {  	s0 =	sadd.s32 @!p0 $0x100000, s0;
	[bflag:$0x2] =	sbarrier.arrive $0xFFFF  }
0x75: {  	[sflag:s0] =	ssyncadd.tile.s32 @!p0 $0x1;
	_ =	shalt  }
.Lfunc_end2:
_tile_overlayer_lowered:
.L_overlay_start_2:
0x76: {  	(tag) =	ssettag $0x2  }
0x77: {  	s0 =	rddreg [dreg:$0x0];
	s2 =	stileid.u32  }
0x78: {  	s1 =	rddreg [dreg:$0x1];
	p0 =	sne.s32 s2, $0x0  }
0x79: {  	s3 =	rddreg [dreg:$0x2];
	[bflag:$0x3] =	sbarrier.arrive $0xFFFF;
	s2 =	simm.s32 @!p0 $0x1C02  }
0x7a: {  	[timem:s3], [sflag:s2] =	dma.local @!p0 [hbm:s0], s1  }
0x7b: {  	s0 =	simm.s32 @!p0 $0x2  }
0x7c: {  	_ =	swait.ge @!p0 [sflag:s0], s1  }
0x7d: {  	s1 =	ssub.s32 @!p0 $0x0, s1;
	[sflag:s0] =	ssyncset.done @!p0 $0x0  }
0x7e: {  	[sflag:s0] =	ssyncadd.s32 @!p0 s1  }
0x7f: {  	[bflag:$0x3] =	sbarrier.arrive $0xFFFF  }
0x80: {  	_ =	shalt  }

</sc_bundles>
